<compile_context>
chip_gen: v7x
topology: tpu7x:2x2x1
jax: 0.10.2.dev20260603
libtpu: 0.0.44.dev20260713+nightly
codegen_flags: <defaults>
</compile_context>

<pallas_src>
import functools

import jax
import jax.numpy as jnp
from jax import lax
from jax.experimental import pallas as pl
from jax.experimental.pallas import tpu as pltpu
from jax.experimental.pallas import tpu_sc as plsc

NC, NS = 2, 16
N = 10000
D = 128
E = 320000
EPT = E // NS
CH = 48
NCHUNK = -(-EPT // CH) + (-(-EPT // CH)) % 2
EPP = NCHUNK * CH


_BM = 1000


def _proj_body(x_ref, w_ref, b_ref, wr_ref, blr_ref, h_ref, hw_ref):
    acc = jnp.dot(x_ref[0], w_ref[0], preferred_element_type=jnp.float32)
    h = jnp.maximum(acc + b_ref[0], 0.0)
    h_ref[0] = h
    hw_ref[0] = (jnp.dot(h, wr_ref[0], preferred_element_type=jnp.float32)
                 + blr_ref[0])


def _project(x, W, b, Wr, bl):
    grid = (2, N // _BM)
    return pl.pallas_call(
        _proj_body,
        grid=grid,
        in_specs=[
            pl.BlockSpec((1, _BM, D), lambda t, i: (t, i, 0)),
            pl.BlockSpec((1, D, D), lambda t, i: (t, 0, 0)),
            pl.BlockSpec((1, 1, D), lambda t, i: (t, 0, 0)),
            pl.BlockSpec((1, D, D), lambda t, i: (t, 0, 0)),
            pl.BlockSpec((1, 1, D), lambda t, i: (t, 0, 0)),
        ],
        out_specs=[
            pl.BlockSpec((1, _BM, D), lambda t, i: (t, i, 0)),
            pl.BlockSpec((1, _BM, D), lambda t, i: (t, i, 0)),
        ],
        out_shape=[
            jax.ShapeDtypeStruct((2, N, D), jnp.float32),
            jax.ShapeDtypeStruct((2, N, D), jnp.float32),
        ],
    )(x, W, b, Wr, bl)


ACC_ROWS = N + 16
ZROWS = ACC_ROWS // NS
CNT_ROWS = N + 16


def _seg_sum_body(src_hbm, dst_hbm, h_hbm, zero_hbm, acc_out, cnt_out,
                  sidx, didx, rows2, cnt_v, acc_sh,
                  sem_g0, sem_g1, sem_s0, sem_s1, sem_i):
    c = lax.axis_index("c")
    s = lax.axis_index("s")
    tid = c * NS + s
    ngrp = NCHUNK // 2

    def _idx_fire(g):
        gc = jnp.minimum(g, ngrp - 1)
        r = (g % 4) * 2
        pltpu.async_copy(src_hbm.at[tid * ngrp + gc],
                         sidx.at[pl.ds(r, 2)], sem_i)
        pltpu.async_copy(dst_hbm.at[tid * ngrp + gc],
                         didx.at[pl.ds(r, 2)], sem_i)

    def _idx_wait():
        pltpu.make_async_copy(
            src_hbm.at[tid * ngrp], sidx.at[pl.ds(0, 2)], sem_i).wait()
        pltpu.make_async_copy(
            dst_hbm.at[tid * ngrp], didx.at[pl.ds(0, 2)], sem_i).wait()

    def _zero_cnt(i, carry):
        cnt_v[pl.ds(i * 16, 16)] = jnp.zeros((16,), jnp.float32)
        return carry
    lax.fori_loop(0, CNT_ROWS // 16, _zero_cnt, 0)

    pltpu.sync_copy(zero_hbm, acc_sh.at[pl.ds(s * ZROWS, ZROWS)])
    plsc.subcore_barrier()

    def _cnts(r):
        for v in range(CH // 16):
            d0 = didx[r, pl.ds(v * 16, 16)]
            plsc.addupdate_scatter(cnt_v, [d0], jnp.ones((16,), jnp.float32))

    _idx_fire(jnp.int32(0))
    _idx_wait()
    _idx_fire(jnp.int32(1))
    pltpu.async_copy(h_hbm.at[sidx.at[0]], rows2.at[0], sem_g0)

    def _group(g, carry):
        r0 = (g % 4) * 2
        rn = ((g + 1) % 4) * 2
        _idx_wait()
        _idx_fire(g + 2)
        @pl.when(g > 0)
        def _():
            pltpu.make_async_copy(
                rows2.at[1], acc_sh.at[didx.at[1]], sem_s1).wait()
        pltpu.async_copy(h_hbm.at[sidx.at[r0 + 1]], rows2.at[1], sem_g1)
        _cnts(r0)
        pltpu.make_async_copy(
            h_hbm.at[sidx.at[r0]], rows2.at[0], sem_g0).wait()
        pltpu.async_copy(
            rows2.at[0], acc_sh.at[didx.at[r0]], sem_s0, add=True)
        pltpu.make_async_copy(
            rows2.at[0], acc_sh.at[didx.at[0]], sem_s0).wait()
        pltpu.async_copy(h_hbm.at[sidx.at[rn]], rows2.at[0], sem_g0)
        _cnts(r0 + 1)
        pltpu.make_async_copy(
            h_hbm.at[sidx.at[r0 + 1]], rows2.at[1], sem_g1).wait()
        pltpu.async_copy(
            rows2.at[1], acc_sh.at[didx.at[r0 + 1]], sem_s1, add=True)
        return carry

    lax.fori_loop(0, ngrp, _group, 0)
    _idx_wait()
    pltpu.make_async_copy(
        h_hbm.at[sidx.at[0]], rows2.at[0], sem_g0).wait()
    pltpu.make_async_copy(
        rows2.at[1], acc_sh.at[didx.at[1]], sem_s1).wait()
    plsc.subcore_barrier()
    pltpu.sync_copy(acc_sh.at[pl.ds(s * ZROWS, ZROWS)], acc_out.at[c, s])
    pltpu.sync_copy(cnt_v, cnt_out.at[c, s])


@functools.cache
def _seg_sum_kernel():
    mesh = plsc.VectorSubcoreMesh(
        core_axis_name="c", subcore_axis_name="s",
        num_cores=NC, num_subcores=NS)
    return pl.kernel(
        _seg_sum_body,
        out_type=[
            jax.ShapeDtypeStruct((NC, NS, ZROWS, D), jnp.float32),
            jax.ShapeDtypeStruct((NC, NS, CNT_ROWS), jnp.float32),
        ],
        name="seg_sum_sc",
        mesh=mesh,
        compiler_params=pltpu.CompilerParams(needs_layout_passes=False),
        scratch_types=[
            pltpu.VMEM((8, CH), jnp.int32),
            pltpu.VMEM((8, CH), jnp.int32),
            pltpu.VMEM((2, CH, D), jnp.float32),
            pltpu.VMEM((CNT_ROWS,), jnp.float32),
            pltpu.VMEM_SHARED((ACC_ROWS, D), jnp.float32),
            pltpu.SemaphoreType.DMA,
            pltpu.SemaphoreType.DMA,
            pltpu.SemaphoreType.DMA,
            pltpu.SemaphoreType.DMA,
            pltpu.SemaphoreType.DMA,
        ],
    )


def _seg_sum(src, dst, h2, zeros):
    acc, cnt = _seg_sum_kernel()(src, dst, h2, zeros)
    return acc.reshape(NC, NS * ZROWS, D), cnt


def _out_body(sp_ref, cnt_ref, hw_ref, wl_ref, o_ref):
    i = pl.program_id(1)
    cnt = jnp.sum(cnt_ref[0], axis=1)
    swl = jnp.dot(sp_ref[0], wl_ref[0], preferred_element_type=jnp.float32)
    o = swl / jnp.maximum(cnt, 1.0)[:, None] + hw_ref[0]
    part = jnp.sum(jnp.maximum(o, 0.0), axis=0)

    @pl.when(i == 0)
    def _init():
        o_ref[0] = jnp.zeros_like(o_ref[0])

    o_ref[0, 0] += part


def _finalize(Sp, cntp, hw, Wl):
    grid = (2, N // _BM)
    return pl.pallas_call(
        _out_body,
        grid=grid,
        in_specs=[
            pl.BlockSpec((1, _BM, D), lambda t, i: (t, i, 0)),
            pl.BlockSpec((1, _BM, NS), lambda t, i: (t, i, 0)),
            pl.BlockSpec((1, _BM, D), lambda t, i: (t, i, 0)),
            pl.BlockSpec((1, D, D), lambda t, i: (t, 0, 0)),
        ],
        out_specs=pl.BlockSpec((1, 8, D), lambda t, i: (t, 0, 0)),
        out_shape=jax.ShapeDtypeStruct((2, 8, D), jnp.float32),
    )(Sp, cntp, hw, Wl)[:, 0, :]


def kernel(x_user, x_item, edge_index_ui, edge_index_iu,
           W_user, b_user, W_item, b_item,
           Wl_ui, bl_ui, Wr_ui, Wl_iu, bl_iu, Wr_iu):
    x = jnp.stack([x_user, x_item])
    W = jnp.stack([W_user, W_item])
    b = jnp.stack([b_user, b_item])[:, None, :]
    Wr = jnp.stack([Wr_iu, Wr_ui])
    bl = jnp.stack([bl_iu, bl_ui])[:, None, :]
    h, hw = _project(x, W, b, Wr, bl)
    h2 = h.reshape(2 * N, D)

    ngrp = NCHUNK // 2
    tail = NS * EPP - E
    src = jnp.concatenate([
        edge_index_iu[0].astype(jnp.int32) + N,
        jnp.zeros((tail,), jnp.int32),
        edge_index_ui[0].astype(jnp.int32),
        jnp.zeros((tail,), jnp.int32),
    ]).reshape(NC * NS * ngrp, 2, CH)
    dst = jnp.concatenate([
        edge_index_iu[1].astype(jnp.int32),
        jnp.full((tail,), N, jnp.int32),
        edge_index_ui[1].astype(jnp.int32),
        jnp.full((tail,), N, jnp.int32),
    ]).reshape(NC * NS * ngrp, 2, CH)
    zeros = jnp.zeros((ZROWS, D), jnp.float32)

    acc, cnt = _seg_sum(src, dst, h2, zeros)

    Wl = jnp.stack([Wl_iu, Wl_ui])
    cnt_t = jnp.swapaxes(cnt, 1, 2)
    pooled = _finalize(acc, cnt_t, hw, Wl)
    return (pooled / N).reshape(2 * D)

# --- scband reference (transcript-rebuilt; emitter-appended) ---
"""Pipeline reference for scband-snapshot-encoder-56495999811600 (READ-ONLY COPY).

The authoritative reference and input builder live on the scoring server;
editing this copy changes nothing except your own understanding.
"""

import jax, jax.numpy as jnp
import numpy as np


def _seg_mean(feats, idx, n):
    s = jax.ops.segment_sum(feats, idx, num_segments=n)
    c = jax.ops.segment_sum(jnp.ones((idx.shape[0], 1), dtype=feats.dtype), idx, num_segments=n)
    return s / jnp.maximum(c, 1.0)


def setup_inputs(seed: int = 0):
    key = jax.random.key(seed)
    ks = jax.random.split(key, 16)
    Nu = 10000; Ni = 10000; d = 128; h = 128; E = 320000
    sc = float(1.0 / np.sqrt(d)); sh = float(1.0 / np.sqrt(h))
    inp = {}
    inp['x_user'] = jax.random.normal(ks[0], (Nu, d), dtype=jnp.float32)
    inp['x_item'] = jax.random.normal(ks[1], (Ni, d), dtype=jnp.float32)
    inp['edge_index_ui'] = jax.random.randint(ks[2], (2, E), 0, Nu, dtype=jnp.int64) if jax.config.jax_enable_x64 else jax.random.randint(ks[2], (2, E), 0, Nu)
    inp['edge_index_iu'] = jax.random.randint(ks[3], (2, E), 0, Ni)
    # input projections (LazyLinear d -> h), weight + bias per node type
    inp['W_user'] = jax.random.uniform(ks[4], (d, h), minval=-sc, maxval=sc, dtype=jnp.float32)
    inp['b_user'] = jax.random.uniform(ks[5], (h,), minval=-sc, maxval=sc, dtype=jnp.float32)
    inp['W_item'] = jax.random.uniform(ks[6], (d, h), minval=-sc, maxval=sc, dtype=jnp.float32)
    inp['b_item'] = jax.random.uniform(ks[7], (h,), minval=-sc, maxval=sc, dtype=jnp.float32)
    # SAGEConv per edge type: lin_l (neighbor, with bias) + lin_r (root, no bias)
    inp['Wl_ui'] = jax.random.uniform(ks[8], (h, h), minval=-sh, maxval=sh, dtype=jnp.float32)
    inp['bl_ui'] = jax.random.uniform(ks[9], (h,), minval=-sh, maxval=sh, dtype=jnp.float32)
    inp['Wr_ui'] = jax.random.uniform(ks[10], (h, h), minval=-sh, maxval=sh, dtype=jnp.float32)
    inp['Wl_iu'] = jax.random.uniform(ks[11], (h, h), minval=-sh, maxval=sh, dtype=jnp.float32)
    inp['bl_iu'] = jax.random.uniform(ks[12], (h,), minval=-sh, maxval=sh, dtype=jnp.float32)
    inp['Wr_iu'] = jax.random.uniform(ks[13], (h, h), minval=-sh, maxval=sh, dtype=jnp.float32)
    return inp


def reference(x_user, x_item, edge_index_ui, edge_index_iu, W_user, b_user, W_item, b_item, Wl_ui, bl_ui, Wr_ui, Wl_iu, bl_iu, Wr_iu):
    # input projection + relu (dropout is identity in eval mode)
    h_u = jax.nn.relu(x_user @ W_user + b_user)
    h_i = jax.nn.relu(x_item @ W_item + b_item)
    # SAGEConv (user -> item): mean-aggregate src (user) features at dst (item)
    agg_i = _seg_mean(jnp.take(h_u, edge_index_ui[0], axis=0), edge_index_ui[1], x_item.shape[0])
    out_i = agg_i @ Wl_ui + bl_ui + h_i @ Wr_ui
    # SAGEConv (item -> user)
    agg_u = _seg_mean(jnp.take(h_i, edge_index_iu[0], axis=0), edge_index_iu[1], x_user.shape[0])
    out_u = agg_u @ Wl_iu + bl_iu + h_u @ Wr_iu
    # HeteroConv aggr='mean': each dst type receives from exactly one relation -> identity
    pooled_u = jax.nn.relu(out_u).mean(axis=0)
    pooled_i = jax.nn.relu(out_i).mean(axis=0)
    return jnp.concatenate([pooled_u, pooled_i], axis=0)

if __name__ == "__main__":
    import jax
    _d = setup_inputs()
    print(jax.jit(kernel)(*tuple(_d.values())))

</pallas_src>

<mosaic_0001>
#map = affine_map<(d0, d1) -> (0, 0, 0)>
#map1 = affine_map<(d0, d1) -> (0, 0)>
#map2 = affine_map<(d0, d1) -> (0, 0, 0, 0)>
module attributes {stable_mosaic.version = 14 : i64} {
  func.func @seg_sum_sc(%arg0: i32, %arg1: i32, %arg2: memref<6688x2x48xi32, #tpu.memory_space<hbm>>, %arg3: memref<6688x2x48xi32, #tpu.memory_space<hbm>>, %arg4: memref<20000x128xf32, #tpu.memory_space<hbm>>, %arg5: memref<626x128xf32, #tpu.memory_space<hbm>>, %arg6: memref<2x16x626x128xf32, #tpu.memory_space<hbm>>, %arg7: memref<2x16x10016xf32, #tpu.memory_space<hbm>>, %arg8: memref<8x48xi32, #tpu.memory_space<vmem>>, %arg9: memref<8x48xi32, #tpu.memory_space<vmem>>, %arg10: memref<2x48x128xf32, #tpu.memory_space<vmem>>, %arg11: memref<10016xf32, #tpu.memory_space<vmem>>, %arg12: memref<10016x128xf32, #tpu.memory_space<vmem_shared>>, %arg13: memref<!tpu.dma_semaphore, #tpu.memory_space<semaphore_mem>>, %arg14: memref<!tpu.dma_semaphore, #tpu.memory_space<semaphore_mem>>, %arg15: memref<!tpu.dma_semaphore, #tpu.memory_space<semaphore_mem>>, %arg16: memref<!tpu.dma_semaphore, #tpu.memory_space<semaphore_mem>>, %arg17: memref<!tpu.dma_semaphore, #tpu.memory_space<semaphore_mem>>) attributes {dimension_semantics = [#tpu.dimension_semantics<core_parallel>, #tpu.dimension_semantics<subcore_parallel>], iteration_bounds = array<i64: 2, 16>, scalar_prefetch = 0 : i64, scratch_operands = 10 : i64, tpu.core_type = #tpu.core_type<sc_vector_subcore>, window_params = [{transform_indices = #map}, {transform_indices = #map}, {transform_indices = #map1}, {transform_indices = #map1}, {transform_indices = #map2}, {transform_indices = #map}]} {
    %mul3A = arith.constant 16 : i32
    %mul3A_0 = arith.muli %arg0, %mul3A : i32
    %add3A = arith.addi %mul3A_0, %arg1 : i32
    %scan3A = arith.constant 0 : i32
    %scan3A_1 = arith.constant 0 : i32
    %scan3A_2 = arith.constant 626 : i32
    %scan3A_3 = arith.addi %scan3A_1, %scan3A_2 : i32
    %scan3A_4 = arith.constant 1 : i32
    scf.for %scan3A_211 = %scan3A_1 to %scan3A_3 step %scan3A_4  : i32 {
      %broadcast_in_dim3A = arith.constant 0.000000e+00 : f32
      %broadcast_in_dim3A_212 = vector.broadcast %broadcast_in_dim3A : f32 to vector<16xf32>
      %mul3A_213 = arith.constant 16 : i32
      %mul3A_214 = arith.muli %scan3A_211, %mul3A_213 : i32
      %swap3A = arith.index_cast %mul3A_214 : i32 to index
      %swap3A_215 = tpu.vector_load %arg11[%swap3A] {strides = array<i32>} : memref<10016xf32, #tpu.memory_space<vmem>>, vector<16xf32>,
      tpu.vector_store %arg11[%swap3A], %broadcast_in_dim3A_212 {strides = array<i32>} : memref<10016xf32, #tpu.memory_space<vmem>>, vector<16xf32>,
    }
    %scan3A_5 = arith.constant 626 : i32
    %mul3A_6 = arith.constant 626 : i32
    %mul3A_7 = arith.muli %arg1, %mul3A_6 : i32
    "tpu.region"() ({
      %run_scoped3A = tpu.sem_alloc : memref<!tpu.dma_semaphore, #tpu.memory_space<semaphore_mem>>
      %dma_start3A_211 = arith.constant 0 : i32
      %dma_start3A_212 = tpu.memref_slice %arg12[%mul3A_7, %dma_start3A_211] : memref<10016x128xf32, #tpu.memory_space<vmem_shared>> -> memref<626x128xf32, #tpu.memory_space<vmem_shared>>
      tpu.enqueue_dma source(%arg5 : memref<626x128xf32, #tpu.memory_space<hbm>>) target(%dma_start3A_212 : memref<626x128xf32, #tpu.memory_space<vmem_shared>>) target_semaphore(%run_scoped3A : memref<!tpu.dma_semaphore, #tpu.memory_space<semaphore_mem>>)
      %dma_wait3A_213 = arith.constant 0 : i32
      %dma_wait3A_214 = tpu.memref_slice %arg12[%mul3A_7, %dma_wait3A_213] : memref<10016x128xf32, #tpu.memory_space<vmem_shared>> -> memref<626x128xf32, #tpu.memory_space<vmem_shared>>
      tpu.wait_dma2 semaphore(%run_scoped3A : memref<!tpu.dma_semaphore, #tpu.memory_space<semaphore_mem>>) src(%arg5 : memref<626x128xf32, #tpu.memory_space<hbm>>) dst(%dma_wait3A_214 : memref<626x128xf32, #tpu.memory_space<vmem_shared>>)
      tpu.yield
    }) : () -> ()
    %barrier3A = arith.constant 0 : index
    tpu.barrier barrier_id(%barrier3A)
    %min3A = arith.constant 0 : i32
    %min3A_8 = arith.constant 208 : i32
    %min3A_9 = arith.minsi %min3A, %min3A_8 : i32
    %jit3A = arith.constant 0 : i32
    %jit3A_10 = arith.constant 4 : i32
    %eq3A = arith.constant 0 : i32
    %eq3A_11 = arith.cmpi eq, %jit3A_10, %eq3A : i32
    %jit3A_12 = arith.constant 1 : i32
    %select_n3A = arith.select %eq3A_11, %jit3A_12, %jit3A_10 : i32
    %rem3A = arith.remsi %jit3A, %select_n3A : i32
    %ne3A = arith.constant 0 : i32
    %ne3A_13 = arith.cmpi ne, %rem3A, %ne3A : i32
    %lt3A = arith.constant 0 : i32
    %lt3A_14 = arith.cmpi slt, %rem3A, %lt3A : i32
    %lt3A_15 = arith.constant 0 : i32
    %lt3A_16 = arith.cmpi slt, %select_n3A, %lt3A_15 : i32
    %ne3A_17 = arith.xori %lt3A_14, %lt3A_16 : i1
    %and3A = arith.andi %ne3A_17, %ne3A_13 : i1
    %add3A_18 = arith.addi %rem3A, %select_n3A : i32
    %select_n3A_19 = arith.select %and3A, %add3A_18, %rem3A : i32
    %mul3A_20 = arith.constant 2 : i32
    %mul3A_21 = arith.muli %select_n3A_19, %mul3A_20 : i32
    %mul3A_22 = arith.constant 209 : i32
    %mul3A_23 = arith.muli %add3A, %mul3A_22 : i32
    %add3A_24 = arith.addi %mul3A_23, %min3A_9 : i32
    %dma_start3A = arith.constant 0 : i32
    %dma_start3A_25 = tpu.memref_slice %arg8[%mul3A_21, %dma_start3A] : memref<8x48xi32, #tpu.memory_space<vmem>> -> memref<2x48xi32, #tpu.memory_space<vmem>>
    %dma_start3A_26 = arith.constant 0 : i32
    %dma_start3A_27 = arith.constant 0 : i32
    %dma_start3A_28 = tpu.memref_slice %arg2[%add3A_24, %dma_start3A_26, %dma_start3A_27] : memref<6688x2x48xi32, #tpu.memory_space<hbm>> -> memref<1x2x48xi32, #tpu.memory_space<hbm>>
    %dma_start3A_29 = tpu.memref_squeeze %dma_start3A_28 : memref<1x2x48xi32, #tpu.memory_space<hbm>> -> memref<2x48xi32, #tpu.memory_space<hbm>>
    %dma_start3A_30 = arith.constant 0 : i32
    %dma_start3A_31 = tpu.memref_slice %arg8[%mul3A_21, %dma_start3A_30] : memref<8x48xi32, #tpu.memory_space<vmem>> -> memref<2x48xi32, #tpu.memory_space<vmem>>
    %dma_start3A_32 = arith.constant 0 : i32
    %dma_start3A_33 = arith.constant 0 : i32
    %dma_start3A_34 = tpu.memref_slice %arg2[%add3A_24, %dma_start3A_32, %dma_start3A_33] : memref<6688x2x48xi32, #tpu.memory_space<hbm>> -> memref<1x2x48xi32, #tpu.memory_space<hbm>>
    %dma_start3A_35 = tpu.memref_squeeze %dma_start3A_34 : memref<1x2x48xi32, #tpu.memory_space<hbm>> -> memref<2x48xi32, #tpu.memory_space<hbm>>
    tpu.enqueue_dma source(%dma_start3A_35 : memref<2x48xi32, #tpu.memory_space<hbm>>) target(%dma_start3A_31 : memref<2x48xi32, #tpu.memory_space<vmem>>) target_semaphore(%arg17 : memref<!tpu.dma_semaphore, #tpu.memory_space<semaphore_mem>>)
    %mul3A_36 = arith.constant 209 : i32
    %mul3A_37 = arith.muli %add3A, %mul3A_36 : i32
    %add3A_38 = arith.addi %mul3A_37, %min3A_9 : i32
    %dma_start3A_39 = arith.constant 0 : i32
    %dma_start3A_40 = tpu.memref_slice %arg9[%mul3A_21, %dma_start3A_39] : memref<8x48xi32, #tpu.memory_space<vmem>> -> memref<2x48xi32, #tpu.memory_space<vmem>>
    %dma_start3A_41 = arith.constant 0 : i32
    %dma_start3A_42 = arith.constant 0 : i32
    %dma_start3A_43 = tpu.memref_slice %arg3[%add3A_38, %dma_start3A_41, %dma_start3A_42] : memref<6688x2x48xi32, #tpu.memory_space<hbm>> -> memref<1x2x48xi32, #tpu.memory_space<hbm>>
    %dma_start3A_44 = tpu.memref_squeeze %dma_start3A_43 : memref<1x2x48xi32, #tpu.memory_space<hbm>> -> memref<2x48xi32, #tpu.memory_space<hbm>>
    %dma_start3A_45 = arith.constant 0 : i32
    %dma_start3A_46 = tpu.memref_slice %arg9[%mul3A_21, %dma_start3A_45] : memref<8x48xi32, #tpu.memory_space<vmem>> -> memref<2x48xi32, #tpu.memory_space<vmem>>
    %dma_start3A_47 = arith.constant 0 : i32
    %dma_start3A_48 = arith.constant 0 : i32
    %dma_start3A_49 = tpu.memref_slice %arg3[%add3A_38, %dma_start3A_47, %dma_start3A_48] : memref<6688x2x48xi32, #tpu.memory_space<hbm>> -> memref<1x2x48xi32, #tpu.memory_space<hbm>>
    %dma_start3A_50 = tpu.memref_squeeze %dma_start3A_49 : memref<1x2x48xi32, #tpu.memory_space<hbm>> -> memref<2x48xi32, #tpu.memory_space<hbm>>
    tpu.enqueue_dma source(%dma_start3A_50 : memref<2x48xi32, #tpu.memory_space<hbm>>) target(%dma_start3A_46 : memref<2x48xi32, #tpu.memory_space<vmem>>) target_semaphore(%arg17 : memref<!tpu.dma_semaphore, #tpu.memory_space<semaphore_mem>>)
    %mul3A_51 = arith.constant 209 : i32
    %mul3A_52 = arith.muli %add3A, %mul3A_51 : i32
    %dma_wait3A = arith.constant 0 : i32
    %dma_wait3A_53 = arith.constant 0 : i32
    %dma_wait3A_54 = tpu.memref_slice %arg8[%dma_wait3A, %dma_wait3A_53] : memref<8x48xi32, #tpu.memory_space<vmem>> -> memref<2x48xi32, #tpu.memory_space<vmem>>
    %dma_wait3A_55 = arith.constant 0 : i32
    %dma_wait3A_56 = arith.constant 0 : i32
    %dma_wait3A_57 = tpu.memref_slice %arg2[%mul3A_52, %dma_wait3A_55, %dma_wait3A_56] : memref<6688x2x48xi32, #tpu.memory_space<hbm>> -> memref<1x2x48xi32, #tpu.memory_space<hbm>>
    %dma_wait3A_58 = tpu.memref_squeeze %dma_wait3A_57 : memref<1x2x48xi32, #tpu.memory_space<hbm>> -> memref<2x48xi32, #tpu.memory_space<hbm>>
    %dma_wait3A_59 = arith.constant 0 : i32
    %dma_wait3A_60 = arith.constant 0 : i32
    %dma_wait3A_61 = tpu.memref_slice %arg8[%dma_wait3A_59, %dma_wait3A_60] : memref<8x48xi32, #tpu.memory_space<vmem>> -> memref<2x48xi32, #tpu.memory_space<vmem>>
    %dma_wait3A_62 = arith.constant 0 : i32
    %dma_wait3A_63 = arith.constant 0 : i32
    %dma_wait3A_64 = tpu.memref_slice %arg2[%mul3A_52, %dma_wait3A_62, %dma_wait3A_63] : memref<6688x2x48xi32, #tpu.memory_space<hbm>> -> memref<1x2x48xi32, #tpu.memory_space<hbm>>
    %dma_wait3A_65 = tpu.memref_squeeze %dma_wait3A_64 : memref<1x2x48xi32, #tpu.memory_space<hbm>> -> memref<2x48xi32, #tpu.memory_space<hbm>>
    tpu.wait_dma2 semaphore(%arg17 : memref<!tpu.dma_semaphore, #tpu.memory_space<semaphore_mem>>) src(%dma_wait3A_65 : memref<2x48xi32, #tpu.memory_space<hbm>>) dst(%dma_wait3A_61 : memref<2x48xi32, #tpu.memory_space<vmem>>)
    %mul3A_66 = arith.constant 209 : i32
    %mul3A_67 = arith.muli %add3A, %mul3A_66 : i32
    %dma_wait3A_68 = arith.constant 0 : i32
    %dma_wait3A_69 = arith.constant 0 : i32
    %dma_wait3A_70 = tpu.memref_slice %arg9[%dma_wait3A_68, %dma_wait3A_69] : memref<8x48xi32, #tpu.memory_space<vmem>> -> memref<2x48xi32, #tpu.memory_space<vmem>>
    %dma_wait3A_71 = arith.constant 0 : i32
    %dma_wait3A_72 = arith.constant 0 : i32
    %dma_wait3A_73 = tpu.memref_slice %arg3[%mul3A_67, %dma_wait3A_71, %dma_wait3A_72] : memref<6688x2x48xi32, #tpu.memory_space<hbm>> -> memref<1x2x48xi32, #tpu.memory_space<hbm>>
    %dma_wait3A_74 = tpu.memref_squeeze %dma_wait3A_73 : memref<1x2x48xi32, #tpu.memory_space<hbm>> -> memref<2x48xi32, #tpu.memory_space<hbm>>
    %dma_wait3A_75 = arith.constant 0 : i32
    %dma_wait3A_76 = arith.constant 0 : i32
    %dma_wait3A_77 = tpu.memref_slice %arg9[%dma_wait3A_75, %dma_wait3A_76] : memref<8x48xi32, #tpu.memory_space<vmem>> -> memref<2x48xi32, #tpu.memory_space<vmem>>
    %dma_wait3A_78 = arith.constant 0 : i32
    %dma_wait3A_79 = arith.constant 0 : i32
    %dma_wait3A_80 = tpu.memref_slice %arg3[%mul3A_67, %dma_wait3A_78, %dma_wait3A_79] : memref<6688x2x48xi32, #tpu.memory_space<hbm>> -> memref<1x2x48xi32, #tpu.memory_space<hbm>>
    %dma_wait3A_81 = tpu.memref_squeeze %dma_wait3A_80 : memref<1x2x48xi32, #tpu.memory_space<hbm>> -> memref<2x48xi32, #tpu.memory_space<hbm>>
    tpu.wait_dma2 semaphore(%arg17 : memref<!tpu.dma_semaphore, #tpu.memory_space<semaphore_mem>>) src(%dma_wait3A_81 : memref<2x48xi32, #tpu.memory_space<hbm>>) dst(%dma_wait3A_77 : memref<2x48xi32, #tpu.memory_space<vmem>>)
    %min3A_82 = arith.constant 1 : i32
    %min3A_83 = arith.constant 208 : i32
    %min3A_84 = arith.minsi %min3A_82, %min3A_83 : i32
    %jit3A_85 = arith.constant 1 : i32
    %jit3A_86 = arith.constant 4 : i32
    %eq3A_87 = arith.constant 0 : i32
    %eq3A_88 = arith.cmpi eq, %jit3A_86, %eq3A_87 : i32
    %jit3A_89 = arith.constant 1 : i32
    %select_n3A_90 = arith.select %eq3A_88, %jit3A_89, %jit3A_86 : i32
    %rem3A_91 = arith.remsi %jit3A_85, %select_n3A_90 : i32
    %ne3A_92 = arith.constant 0 : i32
    %ne3A_93 = arith.cmpi ne, %rem3A_91, %ne3A_92 : i32
    %lt3A_94 = arith.constant 0 : i32
    %lt3A_95 = arith.cmpi slt, %rem3A_91, %lt3A_94 : i32
    %lt3A_96 = arith.constant 0 : i32
    %lt3A_97 = arith.cmpi slt, %select_n3A_90, %lt3A_96 : i32
    %ne3A_98 = arith.xori %lt3A_95, %lt3A_97 : i1
    %and3A_99 = arith.andi %ne3A_98, %ne3A_93 : i1
    %add3A_100 = arith.addi %rem3A_91, %select_n3A_90 : i32
    %select_n3A_101 = arith.select %and3A_99, %add3A_100, %rem3A_91 : i32
    %mul3A_102 = arith.constant 2 : i32
    %mul3A_103 = arith.muli %select_n3A_101, %mul3A_102 : i32
    %mul3A_104 = arith.constant 209 : i32
    %mul3A_105 = arith.muli %add3A, %mul3A_104 : i32
    %add3A_106 = arith.addi %mul3A_105, %min3A_84 : i32
    %dma_start3A_107 = arith.constant 0 : i32
    %dma_start3A_108 = tpu.memref_slice %arg8[%mul3A_103, %dma_start3A_107] : memref<8x48xi32, #tpu.memory_space<vmem>> -> memref<2x48xi32, #tpu.memory_space<vmem>>
    %dma_start3A_109 = arith.constant 0 : i32
    %dma_start3A_110 = arith.constant 0 : i32
    %dma_start3A_111 = tpu.memref_slice %arg2[%add3A_106, %dma_start3A_109, %dma_start3A_110] : memref<6688x2x48xi32, #tpu.memory_space<hbm>> -> memref<1x2x48xi32, #tpu.memory_space<hbm>>
    %dma_start3A_112 = tpu.memref_squeeze %dma_start3A_111 : memref<1x2x48xi32, #tpu.memory_space<hbm>> -> memref<2x48xi32, #tpu.memory_space<hbm>>
    %dma_start3A_113 = arith.constant 0 : i32
    %dma_start3A_114 = tpu.memref_slice %arg8[%mul3A_103, %dma_start3A_113] : memref<8x48xi32, #tpu.memory_space<vmem>> -> memref<2x48xi32, #tpu.memory_space<vmem>>
    %dma_start3A_115 = arith.constant 0 : i32
    %dma_start3A_116 = arith.constant 0 : i32
    %dma_start3A_117 = tpu.memref_slice %arg2[%add3A_106, %dma_start3A_115, %dma_start3A_116] : memref<6688x2x48xi32, #tpu.memory_space<hbm>> -> memref<1x2x48xi32, #tpu.memory_space<hbm>>
    %dma_start3A_118 = tpu.memref_squeeze %dma_start3A_117 : memref<1x2x48xi32, #tpu.memory_space<hbm>> -> memref<2x48xi32, #tpu.memory_space<hbm>>
    tpu.enqueue_dma source(%dma_start3A_118 : memref<2x48xi32, #tpu.memory_space<hbm>>) target(%dma_start3A_114 : memref<2x48xi32, #tpu.memory_space<vmem>>) target_semaphore(%arg17 : memref<!tpu.dma_semaphore, #tpu.memory_space<semaphore_mem>>)
    %mul3A_119 = arith.constant 209 : i32
    %mul3A_120 = arith.muli %add3A, %mul3A_119 : i32
    %add3A_121 = arith.addi %mul3A_120, %min3A_84 : i32
    %dma_start3A_122 = arith.constant 0 : i32
    %dma_start3A_123 = tpu.memref_slice %arg9[%mul3A_103, %dma_start3A_122] : memref<8x48xi32, #tpu.memory_space<vmem>> -> memref<2x48xi32, #tpu.memory_space<vmem>>
    %dma_start3A_124 = arith.constant 0 : i32
    %dma_start3A_125 = arith.constant 0 : i32
    %dma_start3A_126 = tpu.memref_slice %arg3[%add3A_121, %dma_start3A_124, %dma_start3A_125] : memref<6688x2x48xi32, #tpu.memory_space<hbm>> -> memref<1x2x48xi32, #tpu.memory_space<hbm>>
    %dma_start3A_127 = tpu.memref_squeeze %dma_start3A_126 : memref<1x2x48xi32, #tpu.memory_space<hbm>> -> memref<2x48xi32, #tpu.memory_space<hbm>>
    %dma_start3A_128 = arith.constant 0 : i32
    %dma_start3A_129 = tpu.memref_slice %arg9[%mul3A_103, %dma_start3A_128] : memref<8x48xi32, #tpu.memory_space<vmem>> -> memref<2x48xi32, #tpu.memory_space<vmem>>
    %dma_start3A_130 = arith.constant 0 : i32
    %dma_start3A_131 = arith.constant 0 : i32
    %dma_start3A_132 = tpu.memref_slice %arg3[%add3A_121, %dma_start3A_130, %dma_start3A_131] : memref<6688x2x48xi32, #tpu.memory_space<hbm>> -> memref<1x2x48xi32, #tpu.memory_space<hbm>>
    %dma_start3A_133 = tpu.memref_squeeze %dma_start3A_132 : memref<1x2x48xi32, #tpu.memory_space<hbm>> -> memref<2x48xi32, #tpu.memory_space<hbm>>
    tpu.enqueue_dma source(%dma_start3A_133 : memref<2x48xi32, #tpu.memory_space<hbm>>) target(%dma_start3A_129 : memref<2x48xi32, #tpu.memory_space<vmem>>) target_semaphore(%arg17 : memref<!tpu.dma_semaphore, #tpu.memory_space<semaphore_mem>>)
    %dma_start3A_134 = arith.constant 0 : i32
    %dma_start3A_135 = arith.constant 0 : i32
    %dma_start3A_136 = arith.constant 0 : i32
    %dma_start3A_137 = arith.constant 0 : i32
    %dma_start3A_138 = tpu.memref_slice %arg10[%dma_start3A_135, %dma_start3A_136, %dma_start3A_137] : memref<2x48x128xf32, #tpu.memory_space<vmem>> -> memref<1x48x128xf32, #tpu.memory_space<vmem>>
    %dma_start3A_139 = tpu.memref_squeeze %dma_start3A_138 : memref<1x48x128xf32, #tpu.memory_space<vmem>> -> memref<48x128xf32, #tpu.memory_space<vmem>>
    %dma_start3A_140 = arith.constant 0 : i32
    %dma_start3A_141 = tpu.memref_slice %arg8[%dma_start3A_134, %dma_start3A_140] : memref<8x48xi32, #tpu.memory_space<vmem>> -> memref<1x48xi32, #tpu.memory_space<vmem>>
    %dma_start3A_142 = tpu.memref_squeeze %dma_start3A_141 : memref<1x48xi32, #tpu.memory_space<vmem>> -> memref<48xi32, #tpu.memory_space<vmem>>
    %dma_start3A_143 = arith.constant 0 : i32
    %dma_start3A_144 = arith.constant 0 : i32
    %dma_start3A_145 = tpu.memref_slice %arg4[%dma_start3A_143, %dma_start3A_144] : memref<20000x128xf32, #tpu.memory_space<hbm>> -> memref<20000x128xf32, #tpu.memory_space<hbm>>
    tpu.enqueue_indirect_dma source(%dma_start3A_145 : memref<20000x128xf32, #tpu.memory_space<hbm>>) target(%dma_start3A_139 : memref<48x128xf32, #tpu.memory_space<vmem>>) offsets(%dma_start3A_142 : memref<48xi32, #tpu.memory_space<vmem>>) semaphore(%arg13 : memref<!tpu.dma_semaphore, #tpu.memory_space<semaphore_mem>>)
    %scan3A_146 = arith.constant 0 : i32
    %scan3A_147 = arith.constant 0 : i32
    %scan3A_148 = arith.constant 209 : i32
    %scan3A_149 = arith.addi %scan3A_147, %scan3A_148 : i32
    %scan3A_150 = arith.constant 1 : i32
    scf.for %scan3A_211 = %scan3A_147 to %scan3A_149 step %scan3A_150  : i32 {
      %jit3A_212 = arith.constant 4 : i32
      %eq3A_213 = arith.constant 0 : i32
      %eq3A_214 = arith.cmpi eq, %jit3A_212, %eq3A_213 : i32
      %jit3A_215 = arith.constant 1 : i32
      %select_n3A_216 = arith.select %eq3A_214, %jit3A_215, %jit3A_212 : i32
      %rem3A_217 = arith.remsi %scan3A_211, %select_n3A_216 : i32
      %ne3A_218 = arith.constant 0 : i32
      %ne3A_219 = arith.cmpi ne, %rem3A_217, %ne3A_218 : i32
      %lt3A_220 = arith.constant 0 : i32
      %lt3A_221 = arith.cmpi slt, %rem3A_217, %lt3A_220 : i32
      %lt3A_222 = arith.constant 0 : i32
      %lt3A_223 = arith.cmpi slt, %select_n3A_216, %lt3A_222 : i32
      %ne3A_224 = arith.xori %lt3A_221, %lt3A_223 : i1
      %and3A_225 = arith.andi %ne3A_224, %ne3A_219 : i1
      %add3A_226 = arith.addi %rem3A_217, %select_n3A_216 : i32
      %select_n3A_227 = arith.select %and3A_225, %add3A_226, %rem3A_217 : i32
      %mul3A_228 = arith.constant 2 : i32
      %mul3A_229 = arith.muli %select_n3A_227, %mul3A_228 : i32
      %add3A_230 = arith.constant 1 : i32
      %add3A_231 = arith.addi %scan3A_211, %add3A_230 : i32
      %jit3A_232 = arith.constant 4 : i32
      %eq3A_233 = arith.constant 0 : i32
      %eq3A_234 = arith.cmpi eq, %jit3A_232, %eq3A_233 : i32
      %jit3A_235 = arith.constant 1 : i32
      %select_n3A_236 = arith.select %eq3A_234, %jit3A_235, %jit3A_232 : i32
      %rem3A_237 = arith.remsi %add3A_231, %select_n3A_236 : i32
      %ne3A_238 = arith.constant 0 : i32
      %ne3A_239 = arith.cmpi ne, %rem3A_237, %ne3A_238 : i32
      %lt3A_240 = arith.constant 0 : i32
      %lt3A_241 = arith.cmpi slt, %rem3A_237, %lt3A_240 : i32
      %lt3A_242 = arith.constant 0 : i32
      %lt3A_243 = arith.cmpi slt, %select_n3A_236, %lt3A_242 : i32
      %ne3A_244 = arith.xori %lt3A_241, %lt3A_243 : i1
      %and3A_245 = arith.andi %ne3A_244, %ne3A_239 : i1
      %add3A_246 = arith.addi %rem3A_237, %select_n3A_236 : i32
      %select_n3A_247 = arith.select %and3A_245, %add3A_246, %rem3A_237 : i32
      %mul3A_248 = arith.constant 2 : i32
      %mul3A_249 = arith.muli %select_n3A_247, %mul3A_248 : i32
      %mul3A_250 = arith.constant 209 : i32
      %mul3A_251 = arith.muli %add3A, %mul3A_250 : i32
      %dma_wait3A_252 = arith.constant 0 : i32
      %dma_wait3A_253 = arith.constant 0 : i32
      %dma_wait3A_254 = tpu.memref_slice %arg8[%dma_wait3A_252, %dma_wait3A_253] : memref<8x48xi32, #tpu.memory_space<vmem>> -> memref<2x48xi32, #tpu.memory_space<vmem>>
      %dma_wait3A_255 = arith.constant 0 : i32
      %dma_wait3A_256 = arith.constant 0 : i32
      %dma_wait3A_257 = tpu.memref_slice %arg2[%mul3A_251, %dma_wait3A_255, %dma_wait3A_256] : memref<6688x2x48xi32, #tpu.memory_space<hbm>> -> memref<1x2x48xi32, #tpu.memory_space<hbm>>
      %dma_wait3A_258 = tpu.memref_squeeze %dma_wait3A_257 : memref<1x2x48xi32, #tpu.memory_space<hbm>> -> memref<2x48xi32, #tpu.memory_space<hbm>>
      %dma_wait3A_259 = arith.constant 0 : i32
      %dma_wait3A_260 = arith.constant 0 : i32
      %dma_wait3A_261 = tpu.memref_slice %arg8[%dma_wait3A_259, %dma_wait3A_260] : memref<8x48xi32, #tpu.memory_space<vmem>> -> memref<2x48xi32, #tpu.memory_space<vmem>>
      %dma_wait3A_262 = arith.constant 0 : i32
      %dma_wait3A_263 = arith.constant 0 : i32
      %dma_wait3A_264 = tpu.memref_slice %arg2[%mul3A_251, %dma_wait3A_262, %dma_wait3A_263] : memref<6688x2x48xi32, #tpu.memory_space<hbm>> -> memref<1x2x48xi32, #tpu.memory_space<hbm>>
      %dma_wait3A_265 = tpu.memref_squeeze %dma_wait3A_264 : memref<1x2x48xi32, #tpu.memory_space<hbm>> -> memref<2x48xi32, #tpu.memory_space<hbm>>
      tpu.wait_dma2 semaphore(%arg17 : memref<!tpu.dma_semaphore, #tpu.memory_space<semaphore_mem>>) src(%dma_wait3A_265 : memref<2x48xi32, #tpu.memory_space<hbm>>) dst(%dma_wait3A_261 : memref<2x48xi32, #tpu.memory_space<vmem>>)
      %mul3A_266 = arith.constant 209 : i32
      %mul3A_267 = arith.muli %add3A, %mul3A_266 : i32
      %dma_wait3A_268 = arith.constant 0 : i32
      %dma_wait3A_269 = arith.constant 0 : i32
      %dma_wait3A_270 = tpu.memref_slice %arg9[%dma_wait3A_268, %dma_wait3A_269] : memref<8x48xi32, #tpu.memory_space<vmem>> -> memref<2x48xi32, #tpu.memory_space<vmem>>
      %dma_wait3A_271 = arith.constant 0 : i32
      %dma_wait3A_272 = arith.constant 0 : i32
      %dma_wait3A_273 = tpu.memref_slice %arg3[%mul3A_267, %dma_wait3A_271, %dma_wait3A_272] : memref<6688x2x48xi32, #tpu.memory_space<hbm>> -> memref<1x2x48xi32, #tpu.memory_space<hbm>>
      %dma_wait3A_274 = tpu.memref_squeeze %dma_wait3A_273 : memref<1x2x48xi32, #tpu.memory_space<hbm>> -> memref<2x48xi32, #tpu.memory_space<hbm>>
      %dma_wait3A_275 = arith.constant 0 : i32
      %dma_wait3A_276 = arith.constant 0 : i32
      %dma_wait3A_277 = tpu.memref_slice %arg9[%dma_wait3A_275, %dma_wait3A_276] : memref<8x48xi32, #tpu.memory_space<vmem>> -> memref<2x48xi32, #tpu.memory_space<vmem>>
      %dma_wait3A_278 = arith.constant 0 : i32
      %dma_wait3A_279 = arith.constant 0 : i32
      %dma_wait3A_280 = tpu.memref_slice %arg3[%mul3A_267, %dma_wait3A_278, %dma_wait3A_279] : memref<6688x2x48xi32, #tpu.memory_space<hbm>> -> memref<1x2x48xi32, #tpu.memory_space<hbm>>
      %dma_wait3A_281 = tpu.memref_squeeze %dma_wait3A_280 : memref<1x2x48xi32, #tpu.memory_space<hbm>> -> memref<2x48xi32, #tpu.memory_space<hbm>>
      tpu.wait_dma2 semaphore(%arg17 : memref<!tpu.dma_semaphore, #tpu.memory_space<semaphore_mem>>) src(%dma_wait3A_281 : memref<2x48xi32, #tpu.memory_space<hbm>>) dst(%dma_wait3A_277 : memref<2x48xi32, #tpu.memory_space<vmem>>)
      %add3A_282 = arith.constant 2 : i32
      %add3A_283 = arith.addi %scan3A_211, %add3A_282 : i32
      %min3A_284 = arith.constant 208 : i32
      %min3A_285 = arith.minsi %add3A_283, %min3A_284 : i32
      %jit3A_286 = arith.constant 4 : i32
      %eq3A_287 = arith.constant 0 : i32
      %eq3A_288 = arith.cmpi eq, %jit3A_286, %eq3A_287 : i32
      %jit3A_289 = arith.constant 1 : i32
      %select_n3A_290 = arith.select %eq3A_288, %jit3A_289, %jit3A_286 : i32
      %rem3A_291 = arith.remsi %add3A_283, %select_n3A_290 : i32
      %ne3A_292 = arith.constant 0 : i32
      %ne3A_293 = arith.cmpi ne, %rem3A_291, %ne3A_292 : i32
      %lt3A_294 = arith.constant 0 : i32
      %lt3A_295 = arith.cmpi slt, %rem3A_291, %lt3A_294 : i32
      %lt3A_296 = arith.constant 0 : i32
      %lt3A_297 = arith.cmpi slt, %select_n3A_290, %lt3A_296 : i32
      %ne3A_298 = arith.xori %lt3A_295, %lt3A_297 : i1
      %and3A_299 = arith.andi %ne3A_298, %ne3A_293 : i1
      %add3A_300 = arith.addi %rem3A_291, %select_n3A_290 : i32
      %select_n3A_301 = arith.select %and3A_299, %add3A_300, %rem3A_291 : i32
      %mul3A_302 = arith.constant 2 : i32
      %mul3A_303 = arith.muli %select_n3A_301, %mul3A_302 : i32
      %mul3A_304 = arith.constant 209 : i32
      %mul3A_305 = arith.muli %add3A, %mul3A_304 : i32
      %add3A_306 = arith.addi %mul3A_305, %min3A_285 : i32
      %dma_start3A_307 = arith.constant 0 : i32
      %dma_start3A_308 = tpu.memref_slice %arg8[%mul3A_303, %dma_start3A_307] : memref<8x48xi32, #tpu.memory_space<vmem>> -> memref<2x48xi32, #tpu.memory_space<vmem>>
      %dma_start3A_309 = arith.constant 0 : i32
      %dma_start3A_310 = arith.constant 0 : i32
      %dma_start3A_311 = tpu.memref_slice %arg2[%add3A_306, %dma_start3A_309, %dma_start3A_310] : memref<6688x2x48xi32, #tpu.memory_space<hbm>> -> memref<1x2x48xi32, #tpu.memory_space<hbm>>
      %dma_start3A_312 = tpu.memref_squeeze %dma_start3A_311 : memref<1x2x48xi32, #tpu.memory_space<hbm>> -> memref<2x48xi32, #tpu.memory_space<hbm>>
      %dma_start3A_313 = arith.constant 0 : i32
      %dma_start3A_314 = tpu.memref_slice %arg8[%mul3A_303, %dma_start3A_313] : memref<8x48xi32, #tpu.memory_space<vmem>> -> memref<2x48xi32, #tpu.memory_space<vmem>>
      %dma_start3A_315 = arith.constant 0 : i32
      %dma_start3A_316 = arith.constant 0 : i32
      %dma_start3A_317 = tpu.memref_slice %arg2[%add3A_306, %dma_start3A_315, %dma_start3A_316] : memref<6688x2x48xi32, #tpu.memory_space<hbm>> -> memref<1x2x48xi32, #tpu.memory_space<hbm>>
      %dma_start3A_318 = tpu.memref_squeeze %dma_start3A_317 : memref<1x2x48xi32, #tpu.memory_space<hbm>> -> memref<2x48xi32, #tpu.memory_space<hbm>>
      tpu.enqueue_dma source(%dma_start3A_318 : memref<2x48xi32, #tpu.memory_space<hbm>>) target(%dma_start3A_314 : memref<2x48xi32, #tpu.memory_space<vmem>>) target_semaphore(%arg17 : memref<!tpu.dma_semaphore, #tpu.memory_space<semaphore_mem>>)
      %mul3A_319 = arith.constant 209 : i32
      %mul3A_320 = arith.muli %add3A, %mul3A_319 : i32
      %add3A_321 = arith.addi %mul3A_320, %min3A_285 : i32
      %dma_start3A_322 = arith.constant 0 : i32
      %dma_start3A_323 = tpu.memref_slice %arg9[%mul3A_303, %dma_start3A_322] : memref<8x48xi32, #tpu.memory_space<vmem>> -> memref<2x48xi32, #tpu.memory_space<vmem>>
      %dma_start3A_324 = arith.constant 0 : i32
      %dma_start3A_325 = arith.constant 0 : i32
      %dma_start3A_326 = tpu.memref_slice %arg3[%add3A_321, %dma_start3A_324, %dma_start3A_325] : memref<6688x2x48xi32, #tpu.memory_space<hbm>> -> memref<1x2x48xi32, #tpu.memory_space<hbm>>
      %dma_start3A_327 = tpu.memref_squeeze %dma_start3A_326 : memref<1x2x48xi32, #tpu.memory_space<hbm>> -> memref<2x48xi32, #tpu.memory_space<hbm>>
      %dma_start3A_328 = arith.constant 0 : i32
      %dma_start3A_329 = tpu.memref_slice %arg9[%mul3A_303, %dma_start3A_328] : memref<8x48xi32, #tpu.memory_space<vmem>> -> memref<2x48xi32, #tpu.memory_space<vmem>>
      %dma_start3A_330 = arith.constant 0 : i32
      %dma_start3A_331 = arith.constant 0 : i32
      %dma_start3A_332 = tpu.memref_slice %arg3[%add3A_321, %dma_start3A_330, %dma_start3A_331] : memref<6688x2x48xi32, #tpu.memory_space<hbm>> -> memref<1x2x48xi32, #tpu.memory_space<hbm>>
      %dma_start3A_333 = tpu.memref_squeeze %dma_start3A_332 : memref<1x2x48xi32, #tpu.memory_space<hbm>> -> memref<2x48xi32, #tpu.memory_space<hbm>>
      tpu.enqueue_dma source(%dma_start3A_333 : memref<2x48xi32, #tpu.memory_space<hbm>>) target(%dma_start3A_329 : memref<2x48xi32, #tpu.memory_space<vmem>>) target_semaphore(%arg17 : memref<!tpu.dma_semaphore, #tpu.memory_space<semaphore_mem>>)
      %gt3A = arith.constant 0 : i32
      %gt3A_334 = arith.cmpi sgt, %scan3A_211, %gt3A : i32
      %convert_element_type3A = arith.extui %gt3A_334 : i1 to i32
      %cond3A = arith.constant 0 : i32
      %cond3A_335 = arith.cmpi ne, %convert_element_type3A, %cond3A : i32
      scf.if %cond3A_335 {
        %dma_wait3A_450 = arith.constant 1 : i32
        %dma_wait3A_451 = arith.constant 1 : i32
        %dma_wait3A_452 = arith.constant 0 : i32
        %dma_wait3A_453 = arith.constant 0 : i32
        %dma_wait3A_454 = tpu.memref_slice %arg10[%dma_wait3A_450, %dma_wait3A_452, %dma_wait3A_453] : memref<2x48x128xf32, #tpu.memory_space<vmem>> -> memref<1x48x128xf32, #tpu.memory_space<vmem>>
        %dma_wait3A_455 = tpu.memref_squeeze %dma_wait3A_454 : memref<1x48x128xf32, #tpu.memory_space<vmem>> -> memref<48x128xf32, #tpu.memory_space<vmem>>
        %dma_wait3A_456 = arith.constant 0 : i32
        %dma_wait3A_457 = tpu.memref_slice %arg9[%dma_wait3A_451, %dma_wait3A_456] : memref<8x48xi32, #tpu.memory_space<vmem>> -> memref<1x48xi32, #tpu.memory_space<vmem>>
        %dma_wait3A_458 = tpu.memref_squeeze %dma_wait3A_457 : memref<1x48xi32, #tpu.memory_space<vmem>> -> memref<48xi32, #tpu.memory_space<vmem>>
        %dma_wait3A_459 = arith.constant 0 : i32
        %dma_wait3A_460 = arith.constant 0 : i32
        %dma_wait3A_461 = tpu.memref_slice %arg12[%dma_wait3A_459, %dma_wait3A_460] : memref<10016x128xf32, #tpu.memory_space<vmem_shared>> -> memref<10016x128xf32, #tpu.memory_space<vmem_shared>>
        tpu.wait_indirect_dma semaphore(%arg16 : memref<!tpu.dma_semaphore, #tpu.memory_space<semaphore_mem>>) src(%dma_wait3A_455 : memref<48x128xf32, #tpu.memory_space<vmem>>) dst(%dma_wait3A_461 : memref<10016x128xf32, #tpu.memory_space<vmem_shared>>)
      } else {
      }
      %add3A_336 = arith.constant 1 : i32
      %add3A_337 = arith.addi %mul3A_229, %add3A_336 : i32
      %dma_start3A_338 = arith.constant 1 : i32
      %dma_start3A_339 = arith.constant 0 : i32
      %dma_start3A_340 = arith.constant 0 : i32
      %dma_start3A_341 = tpu.memref_slice %arg10[%dma_start3A_338, %dma_start3A_339, %dma_start3A_340] : memref<2x48x128xf32, #tpu.memory_space<vmem>> -> memref<1x48x128xf32, #tpu.memory_space<vmem>>
      %dma_start3A_342 = tpu.memref_squeeze %dma_start3A_341 : memref<1x48x128xf32, #tpu.memory_space<vmem>> -> memref<48x128xf32, #tpu.memory_space<vmem>>
      %dma_start3A_343 = arith.constant 0 : i32
      %dma_start3A_344 = tpu.memref_slice %arg8[%add3A_337, %dma_start3A_343] : memref<8x48xi32, #tpu.memory_space<vmem>> -> memref<1x48xi32, #tpu.memory_space<vmem>>
      %dma_start3A_345 = tpu.memref_squeeze %dma_start3A_344 : memref<1x48xi32, #tpu.memory_space<vmem>> -> memref<48xi32, #tpu.memory_space<vmem>>
      %dma_start3A_346 = arith.constant 0 : i32
      %dma_start3A_347 = arith.constant 0 : i32
      %dma_start3A_348 = tpu.memref_slice %arg4[%dma_start3A_346, %dma_start3A_347] : memref<20000x128xf32, #tpu.memory_space<hbm>> -> memref<20000x128xf32, #tpu.memory_space<hbm>>
      tpu.enqueue_indirect_dma source(%dma_start3A_348 : memref<20000x128xf32, #tpu.memory_space<hbm>>) target(%dma_start3A_342 : memref<48x128xf32, #tpu.memory_space<vmem>>) offsets(%dma_start3A_345 : memref<48xi32, #tpu.memory_space<vmem>>) semaphore(%arg14 : memref<!tpu.dma_semaphore, #tpu.memory_space<semaphore_mem>>)
      %get3A = arith.index_cast %mul3A_229 : i32 to index
      %get3A_349 = arith.constant 0 : index
      %get3A_350 = tpu.vector_load %arg9[%get3A, %get3A_349] {strides = array<i32>} : memref<8x48xi32, #tpu.memory_space<vmem>>, vector<16xi32>,
      %broadcast_in_dim3A = arith.constant 1.000000e+00 : f32
      %broadcast_in_dim3A_351 = vector.broadcast %broadcast_in_dim3A : f32 to vector<16xf32>
      tpu.vector_store_idx %arg11[%get3A_350], %broadcast_in_dim3A_351 {add = true} : memref<10016xf32, #tpu.memory_space<vmem>>[vector<16xi32>], vector<16xf32>,
      %get3A_352 = arith.index_cast %mul3A_229 : i32 to index
      %get3A_353 = arith.constant 16 : index
      %get3A_354 = tpu.vector_load %arg9[%get3A_352, %get3A_353] {strides = array<i32>} : memref<8x48xi32, #tpu.memory_space<vmem>>, vector<16xi32>,
      %broadcast_in_dim3A_355 = arith.constant 1.000000e+00 : f32
      %broadcast_in_dim3A_356 = vector.broadcast %broadcast_in_dim3A_355 : f32 to vector<16xf32>
      tpu.vector_store_idx %arg11[%get3A_354], %broadcast_in_dim3A_356 {add = true} : memref<10016xf32, #tpu.memory_space<vmem>>[vector<16xi32>], vector<16xf32>,
      %get3A_357 = arith.index_cast %mul3A_229 : i32 to index
      %get3A_358 = arith.constant 32 : index
      %get3A_359 = tpu.vector_load %arg9[%get3A_357, %get3A_358] {strides = array<i32>} : memref<8x48xi32, #tpu.memory_space<vmem>>, vector<16xi32>,
      %broadcast_in_dim3A_360 = arith.constant 1.000000e+00 : f32
      %broadcast_in_dim3A_361 = vector.broadcast %broadcast_in_dim3A_360 : f32 to vector<16xf32>
      tpu.vector_store_idx %arg11[%get3A_359], %broadcast_in_dim3A_361 {add = true} : memref<10016xf32, #tpu.memory_space<vmem>>[vector<16xi32>], vector<16xf32>,
      %dma_wait3A_362 = arith.constant 0 : i32
      %dma_wait3A_363 = arith.constant 0 : i32
      %dma_wait3A_364 = arith.constant 0 : i32
      %dma_wait3A_365 = tpu.memref_slice %arg10[%dma_wait3A_362, %dma_wait3A_363, %dma_wait3A_364] : memref<2x48x128xf32, #tpu.memory_space<vmem>> -> memref<1x48x128xf32, #tpu.memory_space<vmem>>
      %dma_wait3A_366 = tpu.memref_squeeze %dma_wait3A_365 : memref<1x48x128xf32, #tpu.memory_space<vmem>> -> memref<48x128xf32, #tpu.memory_space<vmem>>
      %dma_wait3A_367 = arith.constant 0 : i32
      %dma_wait3A_368 = tpu.memref_slice %arg8[%mul3A_229, %dma_wait3A_367] : memref<8x48xi32, #tpu.memory_space<vmem>> -> memref<1x48xi32, #tpu.memory_space<vmem>>
      %dma_wait3A_369 = tpu.memref_squeeze %dma_wait3A_368 : memref<1x48xi32, #tpu.memory_space<vmem>> -> memref<48xi32, #tpu.memory_space<vmem>>
      %dma_wait3A_370 = arith.constant 0 : i32
      %dma_wait3A_371 = arith.constant 0 : i32
      %dma_wait3A_372 = tpu.memref_slice %arg4[%dma_wait3A_370, %dma_wait3A_371] : memref<20000x128xf32, #tpu.memory_space<hbm>> -> memref<20000x128xf32, #tpu.memory_space<hbm>>
      tpu.wait_indirect_dma semaphore(%arg13 : memref<!tpu.dma_semaphore, #tpu.memory_space<semaphore_mem>>) src(%dma_wait3A_372 : memref<20000x128xf32, #tpu.memory_space<hbm>>) dst(%dma_wait3A_366 : memref<48x128xf32, #tpu.memory_space<vmem>>)
      %dma_start3A_373 = arith.constant 0 : i32
      %dma_start3A_374 = arith.constant 0 : i32
      %dma_start3A_375 = arith.constant 0 : i32
      %dma_start3A_376 = tpu.memref_slice %arg10[%dma_start3A_373, %dma_start3A_374, %dma_start3A_375] : memref<2x48x128xf32, #tpu.memory_space<vmem>> -> memref<1x48x128xf32, #tpu.memory_space<vmem>>
      %dma_start3A_377 = tpu.memref_squeeze %dma_start3A_376 : memref<1x48x128xf32, #tpu.memory_space<vmem>> -> memref<48x128xf32, #tpu.memory_space<vmem>>
      %dma_start3A_378 = arith.constant 0 : i32
      %dma_start3A_379 = tpu.memref_slice %arg9[%mul3A_229, %dma_start3A_378] : memref<8x48xi32, #tpu.memory_space<vmem>> -> memref<1x48xi32, #tpu.memory_space<vmem>>
      %dma_start3A_380 = tpu.memref_squeeze %dma_start3A_379 : memref<1x48xi32, #tpu.memory_space<vmem>> -> memref<48xi32, #tpu.memory_space<vmem>>
      %dma_start3A_381 = arith.constant 0 : i32
      %dma_start3A_382 = arith.constant 0 : i32
      %dma_start3A_383 = tpu.memref_slice %arg12[%dma_start3A_381, %dma_start3A_382] : memref<10016x128xf32, #tpu.memory_space<vmem_shared>> -> memref<10016x128xf32, #tpu.memory_space<vmem_shared>>
      tpu.enqueue_indirect_dma source(%dma_start3A_377 : memref<48x128xf32, #tpu.memory_space<vmem>>) target(%dma_start3A_383 : memref<10016x128xf32, #tpu.memory_space<vmem_shared>>) offsets(%dma_start3A_380 : memref<48xi32, #tpu.memory_space<vmem>>) semaphore(%arg15 : memref<!tpu.dma_semaphore, #tpu.memory_space<semaphore_mem>>) {add = true}
      %dma_wait3A_384 = arith.constant 0 : i32
      %dma_wait3A_385 = arith.constant 0 : i32
      %dma_wait3A_386 = arith.constant 0 : i32
      %dma_wait3A_387 = arith.constant 0 : i32
      %dma_wait3A_388 = tpu.memref_slice %arg10[%dma_wait3A_384, %dma_wait3A_386, %dma_wait3A_387] : memref<2x48x128xf32, #tpu.memory_space<vmem>> -> memref<1x48x128xf32, #tpu.memory_space<vmem>>
      %dma_wait3A_389 = tpu.memref_squeeze %dma_wait3A_388 : memref<1x48x128xf32, #tpu.memory_space<vmem>> -> memref<48x128xf32, #tpu.memory_space<vmem>>
      %dma_wait3A_390 = arith.constant 0 : i32
      %dma_wait3A_391 = tpu.memref_slice %arg9[%dma_wait3A_385, %dma_wait3A_390] : memref<8x48xi32, #tpu.memory_space<vmem>> -> memref<1x48xi32, #tpu.memory_space<vmem>>
      %dma_wait3A_392 = tpu.memref_squeeze %dma_wait3A_391 : memref<1x48xi32, #tpu.memory_space<vmem>> -> memref<48xi32, #tpu.memory_space<vmem>>
      %dma_wait3A_393 = arith.constant 0 : i32
      %dma_wait3A_394 = arith.constant 0 : i32
      %dma_wait3A_395 = tpu.memref_slice %arg12[%dma_wait3A_393, %dma_wait3A_394] : memref<10016x128xf32, #tpu.memory_space<vmem_shared>> -> memref<10016x128xf32, #tpu.memory_space<vmem_shared>>
      tpu.wait_indirect_dma semaphore(%arg15 : memref<!tpu.dma_semaphore, #tpu.memory_space<semaphore_mem>>) src(%dma_wait3A_389 : memref<48x128xf32, #tpu.memory_space<vmem>>) dst(%dma_wait3A_395 : memref<10016x128xf32, #tpu.memory_space<vmem_shared>>)
      %dma_start3A_396 = arith.constant 0 : i32
      %dma_start3A_397 = arith.constant 0 : i32
      %dma_start3A_398 = arith.constant 0 : i32
      %dma_start3A_399 = tpu.memref_slice %arg10[%dma_start3A_396, %dma_start3A_397, %dma_start3A_398] : memref<2x48x128xf32, #tpu.memory_space<vmem>> -> memref<1x48x128xf32, #tpu.memory_space<vmem>>
      %dma_start3A_400 = tpu.memref_squeeze %dma_start3A_399 : memref<1x48x128xf32, #tpu.memory_space<vmem>> -> memref<48x128xf32, #tpu.memory_space<vmem>>
      %dma_start3A_401 = arith.constant 0 : i32
      %dma_start3A_402 = tpu.memref_slice %arg8[%mul3A_249, %dma_start3A_401] : memref<8x48xi32, #tpu.memory_space<vmem>> -> memref<1x48xi32, #tpu.memory_space<vmem>>
      %dma_start3A_403 = tpu.memref_squeeze %dma_start3A_402 : memref<1x48xi32, #tpu.memory_space<vmem>> -> memref<48xi32, #tpu.memory_space<vmem>>
      %dma_start3A_404 = arith.constant 0 : i32
      %dma_start3A_405 = arith.constant 0 : i32
      %dma_start3A_406 = tpu.memref_slice %arg4[%dma_start3A_404, %dma_start3A_405] : memref<20000x128xf32, #tpu.memory_space<hbm>> -> memref<20000x128xf32, #tpu.memory_space<hbm>>
      tpu.enqueue_indirect_dma source(%dma_start3A_406 : memref<20000x128xf32, #tpu.memory_space<hbm>>) target(%dma_start3A_400 : memref<48x128xf32, #tpu.memory_space<vmem>>) offsets(%dma_start3A_403 : memref<48xi32, #tpu.memory_space<vmem>>) semaphore(%arg13 : memref<!tpu.dma_semaphore, #tpu.memory_space<semaphore_mem>>)
      %add3A_407 = arith.constant 1 : i32
      %add3A_408 = arith.addi %mul3A_229, %add3A_407 : i32
      %get3A_409 = arith.index_cast %add3A_408 : i32 to index
      %get3A_410 = arith.constant 0 : index
      %get3A_411 = tpu.vector_load %arg9[%get3A_409, %get3A_410] {strides = array<i32>} : memref<8x48xi32, #tpu.memory_space<vmem>>, vector<16xi32>,
      %broadcast_in_dim3A_412 = arith.constant 1.000000e+00 : f32
      %broadcast_in_dim3A_413 = vector.broadcast %broadcast_in_dim3A_412 : f32 to vector<16xf32>
      tpu.vector_store_idx %arg11[%get3A_411], %broadcast_in_dim3A_413 {add = true} : memref<10016xf32, #tpu.memory_space<vmem>>[vector<16xi32>], vector<16xf32>,
      %get3A_414 = arith.index_cast %add3A_408 : i32 to index
      %get3A_415 = arith.constant 16 : index
      %get3A_416 = tpu.vector_load %arg9[%get3A_414, %get3A_415] {strides = array<i32>} : memref<8x48xi32, #tpu.memory_space<vmem>>, vector<16xi32>,
      %broadcast_in_dim3A_417 = arith.constant 1.000000e+00 : f32
      %broadcast_in_dim3A_418 = vector.broadcast %broadcast_in_dim3A_417 : f32 to vector<16xf32>
      tpu.vector_store_idx %arg11[%get3A_416], %broadcast_in_dim3A_418 {add = true} : memref<10016xf32, #tpu.memory_space<vmem>>[vector<16xi32>], vector<16xf32>,
      %get3A_419 = arith.index_cast %add3A_408 : i32 to index
      %get3A_420 = arith.constant 32 : index
      %get3A_421 = tpu.vector_load %arg9[%get3A_419, %get3A_420] {strides = array<i32>} : memref<8x48xi32, #tpu.memory_space<vmem>>, vector<16xi32>,
      %broadcast_in_dim3A_422 = arith.constant 1.000000e+00 : f32
      %broadcast_in_dim3A_423 = vector.broadcast %broadcast_in_dim3A_422 : f32 to vector<16xf32>
      tpu.vector_store_idx %arg11[%get3A_421], %broadcast_in_dim3A_423 {add = true} : memref<10016xf32, #tpu.memory_space<vmem>>[vector<16xi32>], vector<16xf32>,
      %add3A_424 = arith.constant 1 : i32
      %add3A_425 = arith.addi %mul3A_229, %add3A_424 : i32
      %dma_wait3A_426 = arith.constant 1 : i32
      %dma_wait3A_427 = arith.constant 0 : i32
      %dma_wait3A_428 = arith.constant 0 : i32
      %dma_wait3A_429 = tpu.memref_slice %arg10[%dma_wait3A_426, %dma_wait3A_427, %dma_wait3A_428] : memref<2x48x128xf32, #tpu.memory_space<vmem>> -> memref<1x48x128xf32, #tpu.memory_space<vmem>>
      %dma_wait3A_430 = tpu.memref_squeeze %dma_wait3A_429 : memref<1x48x128xf32, #tpu.memory_space<vmem>> -> memref<48x128xf32, #tpu.memory_space<vmem>>
      %dma_wait3A_431 = arith.constant 0 : i32
      %dma_wait3A_432 = tpu.memref_slice %arg8[%add3A_425, %dma_wait3A_431] : memref<8x48xi32, #tpu.memory_space<vmem>> -> memref<1x48xi32, #tpu.memory_space<vmem>>
      %dma_wait3A_433 = tpu.memref_squeeze %dma_wait3A_432 : memref<1x48xi32, #tpu.memory_space<vmem>> -> memref<48xi32, #tpu.memory_space<vmem>>
      %dma_wait3A_434 = arith.constant 0 : i32
      %dma_wait3A_435 = arith.constant 0 : i32
      %dma_wait3A_436 = tpu.memref_slice %arg4[%dma_wait3A_434, %dma_wait3A_435] : memref<20000x128xf32, #tpu.memory_space<hbm>> -> memref<20000x128xf32, #tpu.memory_space<hbm>>
      tpu.wait_indirect_dma semaphore(%arg14 : memref<!tpu.dma_semaphore, #tpu.memory_space<semaphore_mem>>) src(%dma_wait3A_436 : memref<20000x128xf32, #tpu.memory_space<hbm>>) dst(%dma_wait3A_430 : memref<48x128xf32, #tpu.memory_space<vmem>>)
      %add3A_437 = arith.constant 1 : i32
      %add3A_438 = arith.addi %mul3A_229, %add3A_437 : i32
      %dma_start3A_439 = arith.constant 1 : i32
      %dma_start3A_440 = arith.constant 0 : i32
      %dma_start3A_441 = arith.constant 0 : i32
      %dma_start3A_442 = tpu.memref_slice %arg10[%dma_start3A_439, %dma_start3A_440, %dma_start3A_441] : memref<2x48x128xf32, #tpu.memory_space<vmem>> -> memref<1x48x128xf32, #tpu.memory_space<vmem>>
      %dma_start3A_443 = tpu.memref_squeeze %dma_start3A_442 : memref<1x48x128xf32, #tpu.memory_space<vmem>> -> memref<48x128xf32, #tpu.memory_space<vmem>>
      %dma_start3A_444 = arith.constant 0 : i32
      %dma_start3A_445 = tpu.memref_slice %arg9[%add3A_438, %dma_start3A_444] : memref<8x48xi32, #tpu.memory_space<vmem>> -> memref<1x48xi32, #tpu.memory_space<vmem>>
      %dma_start3A_446 = tpu.memref_squeeze %dma_start3A_445 : memref<1x48xi32, #tpu.memory_space<vmem>> -> memref<48xi32, #tpu.memory_space<vmem>>
      %dma_start3A_447 = arith.constant 0 : i32
      %dma_start3A_448 = arith.constant 0 : i32
      %dma_start3A_449 = tpu.memref_slice %arg12[%dma_start3A_447, %dma_start3A_448] : memref<10016x128xf32, #tpu.memory_space<vmem_shared>> -> memref<10016x128xf32, #tpu.memory_space<vmem_shared>>
      tpu.enqueue_indirect_dma source(%dma_start3A_443 : memref<48x128xf32, #tpu.memory_space<vmem>>) target(%dma_start3A_449 : memref<10016x128xf32, #tpu.memory_space<vmem_shared>>) offsets(%dma_start3A_446 : memref<48xi32, #tpu.memory_space<vmem>>) semaphore(%arg16 : memref<!tpu.dma_semaphore, #tpu.memory_space<semaphore_mem>>) {add = true}
    }
    %scan3A_151 = arith.constant 209 : i32
    %mul3A_152 = arith.constant 209 : i32
    %mul3A_153 = arith.muli %add3A, %mul3A_152 : i32
    %dma_wait3A_154 = arith.constant 0 : i32
    %dma_wait3A_155 = arith.constant 0 : i32
    %dma_wait3A_156 = tpu.memref_slice %arg8[%dma_wait3A_154, %dma_wait3A_155] : memref<8x48xi32, #tpu.memory_space<vmem>> -> memref<2x48xi32, #tpu.memory_space<vmem>>
    %dma_wait3A_157 = arith.constant 0 : i32
    %dma_wait3A_158 = arith.constant 0 : i32
    %dma_wait3A_159 = tpu.memref_slice %arg2[%mul3A_153, %dma_wait3A_157, %dma_wait3A_158] : memref<6688x2x48xi32, #tpu.memory_space<hbm>> -> memref<1x2x48xi32, #tpu.memory_space<hbm>>
    %dma_wait3A_160 = tpu.memref_squeeze %dma_wait3A_159 : memref<1x2x48xi32, #tpu.memory_space<hbm>> -> memref<2x48xi32, #tpu.memory_space<hbm>>
    %dma_wait3A_161 = arith.constant 0 : i32
    %dma_wait3A_162 = arith.constant 0 : i32
    %dma_wait3A_163 = tpu.memref_slice %arg8[%dma_wait3A_161, %dma_wait3A_162] : memref<8x48xi32, #tpu.memory_space<vmem>> -> memref<2x48xi32, #tpu.memory_space<vmem>>
    %dma_wait3A_164 = arith.constant 0 : i32
    %dma_wait3A_165 = arith.constant 0 : i32
    %dma_wait3A_166 = tpu.memref_slice %arg2[%mul3A_153, %dma_wait3A_164, %dma_wait3A_165] : memref<6688x2x48xi32, #tpu.memory_space<hbm>> -> memref<1x2x48xi32, #tpu.memory_space<hbm>>
    %dma_wait3A_167 = tpu.memref_squeeze %dma_wait3A_166 : memref<1x2x48xi32, #tpu.memory_space<hbm>> -> memref<2x48xi32, #tpu.memory_space<hbm>>
    tpu.wait_dma2 semaphore(%arg17 : memref<!tpu.dma_semaphore, #tpu.memory_space<semaphore_mem>>) src(%dma_wait3A_167 : memref<2x48xi32, #tpu.memory_space<hbm>>) dst(%dma_wait3A_163 : memref<2x48xi32, #tpu.memory_space<vmem>>)
    %mul3A_168 = arith.constant 209 : i32
    %mul3A_169 = arith.muli %add3A, %mul3A_168 : i32
    %dma_wait3A_170 = arith.constant 0 : i32
    %dma_wait3A_171 = arith.constant 0 : i32
    %dma_wait3A_172 = tpu.memref_slice %arg9[%dma_wait3A_170, %dma_wait3A_171] : memref<8x48xi32, #tpu.memory_space<vmem>> -> memref<2x48xi32, #tpu.memory_space<vmem>>
    %dma_wait3A_173 = arith.constant 0 : i32
    %dma_wait3A_174 = arith.constant 0 : i32
    %dma_wait3A_175 = tpu.memref_slice %arg3[%mul3A_169, %dma_wait3A_173, %dma_wait3A_174] : memref<6688x2x48xi32, #tpu.memory_space<hbm>> -> memref<1x2x48xi32, #tpu.memory_space<hbm>>
    %dma_wait3A_176 = tpu.memref_squeeze %dma_wait3A_175 : memref<1x2x48xi32, #tpu.memory_space<hbm>> -> memref<2x48xi32, #tpu.memory_space<hbm>>
    %dma_wait3A_177 = arith.constant 0 : i32
    %dma_wait3A_178 = arith.constant 0 : i32
    %dma_wait3A_179 = tpu.memref_slice %arg9[%dma_wait3A_177, %dma_wait3A_178] : memref<8x48xi32, #tpu.memory_space<vmem>> -> memref<2x48xi32, #tpu.memory_space<vmem>>
    %dma_wait3A_180 = arith.constant 0 : i32
    %dma_wait3A_181 = arith.constant 0 : i32
    %dma_wait3A_182 = tpu.memref_slice %arg3[%mul3A_169, %dma_wait3A_180, %dma_wait3A_181] : memref<6688x2x48xi32, #tpu.memory_space<hbm>> -> memref<1x2x48xi32, #tpu.memory_space<hbm>>
    %dma_wait3A_183 = tpu.memref_squeeze %dma_wait3A_182 : memref<1x2x48xi32, #tpu.memory_space<hbm>> -> memref<2x48xi32, #tpu.memory_space<hbm>>
    tpu.wait_dma2 semaphore(%arg17 : memref<!tpu.dma_semaphore, #tpu.memory_space<semaphore_mem>>) src(%dma_wait3A_183 : memref<2x48xi32, #tpu.memory_space<hbm>>) dst(%dma_wait3A_179 : memref<2x48xi32, #tpu.memory_space<vmem>>)
    %dma_wait3A_184 = arith.constant 0 : i32
    %dma_wait3A_185 = arith.constant 0 : i32
    %dma_wait3A_186 = arith.constant 0 : i32
    %dma_wait3A_187 = arith.constant 0 : i32
    %dma_wait3A_188 = tpu.memref_slice %arg10[%dma_wait3A_185, %dma_wait3A_186, %dma_wait3A_187] : memref<2x48x128xf32, #tpu.memory_space<vmem>> -> memref<1x48x128xf32, #tpu.memory_space<vmem>>
    %dma_wait3A_189 = tpu.memref_squeeze %dma_wait3A_188 : memref<1x48x128xf32, #tpu.memory_space<vmem>> -> memref<48x128xf32, #tpu.memory_space<vmem>>
    %dma_wait3A_190 = arith.constant 0 : i32
    %dma_wait3A_191 = tpu.memref_slice %arg8[%dma_wait3A_184, %dma_wait3A_190] : memref<8x48xi32, #tpu.memory_space<vmem>> -> memref<1x48xi32, #tpu.memory_space<vmem>>
    %dma_wait3A_192 = tpu.memref_squeeze %dma_wait3A_191 : memref<1x48xi32, #tpu.memory_space<vmem>> -> memref<48xi32, #tpu.memory_space<vmem>>
    %dma_wait3A_193 = arith.constant 0 : i32
    %dma_wait3A_194 = arith.constant 0 : i32
    %dma_wait3A_195 = tpu.memref_slice %arg4[%dma_wait3A_193, %dma_wait3A_194] : memref<20000x128xf32, #tpu.memory_space<hbm>> -> memref<20000x128xf32, #tpu.memory_space<hbm>>
    tpu.wait_indirect_dma semaphore(%arg13 : memref<!tpu.dma_semaphore, #tpu.memory_space<semaphore_mem>>) src(%dma_wait3A_195 : memref<20000x128xf32, #tpu.memory_space<hbm>>) dst(%dma_wait3A_189 : memref<48x128xf32, #tpu.memory_space<vmem>>)
    %dma_wait3A_196 = arith.constant 1 : i32
    %dma_wait3A_197 = arith.constant 1 : i32
    %dma_wait3A_198 = arith.constant 0 : i32
    %dma_wait3A_199 = arith.constant 0 : i32
    %dma_wait3A_200 = tpu.memref_slice %arg10[%dma_wait3A_196, %dma_wait3A_198, %dma_wait3A_199] : memref<2x48x128xf32, #tpu.memory_space<vmem>> -> memref<1x48x128xf32, #tpu.memory_space<vmem>>
    %dma_wait3A_201 = tpu.memref_squeeze %dma_wait3A_200 : memref<1x48x128xf32, #tpu.memory_space<vmem>> -> memref<48x128xf32, #tpu.memory_space<vmem>>
    %dma_wait3A_202 = arith.constant 0 : i32
    %dma_wait3A_203 = tpu.memref_slice %arg9[%dma_wait3A_197, %dma_wait3A_202] : memref<8x48xi32, #tpu.memory_space<vmem>> -> memref<1x48xi32, #tpu.memory_space<vmem>>
    %dma_wait3A_204 = tpu.memref_squeeze %dma_wait3A_203 : memref<1x48xi32, #tpu.memory_space<vmem>> -> memref<48xi32, #tpu.memory_space<vmem>>
    %dma_wait3A_205 = arith.constant 0 : i32
    %dma_wait3A_206 = arith.constant 0 : i32
    %dma_wait3A_207 = tpu.memref_slice %arg12[%dma_wait3A_205, %dma_wait3A_206] : memref<10016x128xf32, #tpu.memory_space<vmem_shared>> -> memref<10016x128xf32, #tpu.memory_space<vmem_shared>>
    tpu.wait_indirect_dma semaphore(%arg16 : memref<!tpu.dma_semaphore, #tpu.memory_space<semaphore_mem>>) src(%dma_wait3A_201 : memref<48x128xf32, #tpu.memory_space<vmem>>) dst(%dma_wait3A_207 : memref<10016x128xf32, #tpu.memory_space<vmem_shared>>)
    %barrier3A_208 = arith.constant 0 : index
    tpu.barrier barrier_id(%barrier3A_208)
    %mul3A_209 = arith.constant 626 : i32
    %mul3A_210 = arith.muli %arg1, %mul3A_209 : i32
    "tpu.region"() ({
      %run_scoped3A = tpu.sem_alloc : memref<!tpu.dma_semaphore, #tpu.memory_space<semaphore_mem>>
      %dma_start3A_211 = arith.constant 0 : i32
      %dma_start3A_212 = arith.constant 0 : i32
      %dma_start3A_213 = tpu.memref_slice %arg6[%arg0, %arg1, %dma_start3A_211, %dma_start3A_212] : memref<2x16x626x128xf32, #tpu.memory_space<hbm>> -> memref<1x1x626x128xf32, #tpu.memory_space<hbm>>
      %dma_start3A_214 = tpu.memref_squeeze %dma_start3A_213 : memref<1x1x626x128xf32, #tpu.memory_space<hbm>> -> memref<626x128xf32, #tpu.memory_space<hbm>>
      %dma_start3A_215 = arith.constant 0 : i32
      %dma_start3A_216 = tpu.memref_slice %arg12[%mul3A_210, %dma_start3A_215] : memref<10016x128xf32, #tpu.memory_space<vmem_shared>> -> memref<626x128xf32, #tpu.memory_space<vmem_shared>>
      tpu.enqueue_dma source(%dma_start3A_216 : memref<626x128xf32, #tpu.memory_space<vmem_shared>>) target(%dma_start3A_214 : memref<626x128xf32, #tpu.memory_space<hbm>>) target_semaphore(%run_scoped3A : memref<!tpu.dma_semaphore, #tpu.memory_space<semaphore_mem>>)
      %dma_wait3A_217 = arith.constant 0 : i32
      %dma_wait3A_218 = arith.constant 0 : i32
      %dma_wait3A_219 = tpu.memref_slice %arg6[%arg0, %arg1, %dma_wait3A_217, %dma_wait3A_218] : memref<2x16x626x128xf32, #tpu.memory_space<hbm>> -> memref<1x1x626x128xf32, #tpu.memory_space<hbm>>
      %dma_wait3A_220 = tpu.memref_squeeze %dma_wait3A_219 : memref<1x1x626x128xf32, #tpu.memory_space<hbm>> -> memref<626x128xf32, #tpu.memory_space<hbm>>
      %dma_wait3A_221 = arith.constant 0 : i32
      %dma_wait3A_222 = tpu.memref_slice %arg12[%mul3A_210, %dma_wait3A_221] : memref<10016x128xf32, #tpu.memory_space<vmem_shared>> -> memref<626x128xf32, #tpu.memory_space<vmem_shared>>
      tpu.wait_dma2 semaphore(%run_scoped3A : memref<!tpu.dma_semaphore, #tpu.memory_space<semaphore_mem>>) src(%dma_wait3A_222 : memref<626x128xf32, #tpu.memory_space<vmem_shared>>) dst(%dma_wait3A_220 : memref<626x128xf32, #tpu.memory_space<hbm>>)
      tpu.yield
    }) : () -> ()
    "tpu.region"() ({
      %run_scoped3A = tpu.sem_alloc : memref<!tpu.dma_semaphore, #tpu.memory_space<semaphore_mem>>
      %dma_start3A_211 = arith.constant 0 : i32
      %dma_start3A_212 = tpu.memref_slice %arg7[%arg0, %arg1, %dma_start3A_211] : memref<2x16x10016xf32, #tpu.memory_space<hbm>> -> memref<1x1x10016xf32, #tpu.memory_space<hbm>>
      %dma_start3A_213 = tpu.memref_squeeze %dma_start3A_212 : memref<1x1x10016xf32, #tpu.memory_space<hbm>> -> memref<10016xf32, #tpu.memory_space<hbm>>
      %dma_start3A_214 = arith.constant 0 : i32
      %dma_start3A_215 = tpu.memref_slice %arg7[%arg0, %arg1, %dma_start3A_214] : memref<2x16x10016xf32, #tpu.memory_space<hbm>> -> memref<1x1x10016xf32, #tpu.memory_space<hbm>>
      %dma_start3A_216 = tpu.memref_squeeze %dma_start3A_215 : memref<1x1x10016xf32, #tpu.memory_space<hbm>> -> memref<10016xf32, #tpu.memory_space<hbm>>
      tpu.enqueue_dma source(%arg11 : memref<10016xf32, #tpu.memory_space<vmem>>) target(%dma_start3A_216 : memref<10016xf32, #tpu.memory_space<hbm>>) target_semaphore(%run_scoped3A : memref<!tpu.dma_semaphore, #tpu.memory_space<semaphore_mem>>)
      %dma_wait3A_217 = arith.constant 0 : i32
      %dma_wait3A_218 = tpu.memref_slice %arg7[%arg0, %arg1, %dma_wait3A_217] : memref<2x16x10016xf32, #tpu.memory_space<hbm>> -> memref<1x1x10016xf32, #tpu.memory_space<hbm>>
      %dma_wait3A_219 = tpu.memref_squeeze %dma_wait3A_218 : memref<1x1x10016xf32, #tpu.memory_space<hbm>> -> memref<10016xf32, #tpu.memory_space<hbm>>
      %dma_wait3A_220 = arith.constant 0 : i32
      %dma_wait3A_221 = tpu.memref_slice %arg7[%arg0, %arg1, %dma_wait3A_220] : memref<2x16x10016xf32, #tpu.memory_space<hbm>> -> memref<1x1x10016xf32, #tpu.memory_space<hbm>>
      %dma_wait3A_222 = tpu.memref_squeeze %dma_wait3A_221 : memref<1x1x10016xf32, #tpu.memory_space<hbm>> -> memref<10016xf32, #tpu.memory_space<hbm>>
      tpu.wait_dma2 semaphore(%run_scoped3A : memref<!tpu.dma_semaphore, #tpu.memory_space<semaphore_mem>>) src(%arg11 : memref<10016xf32, #tpu.memory_space<vmem>>) dst(%dma_wait3A_222 : memref<10016xf32, #tpu.memory_space<hbm>>)
      tpu.yield
    }) : () -> ()
    return
  }
}

module attributes {stable_mosaic.version = 14 : i64} {
  func.func @_proj_body(%arg0: i32, %arg1: i32, %arg2: memref<1x1000x128xf32, #tpu.memory_space<vmem>>, %arg3: memref<1x128x128xf32, #tpu.memory_space<vmem>>, %arg4: memref<1x1x128xf32, #tpu.memory_space<vmem>>, %arg5: memref<1x128x128xf32, #tpu.memory_space<vmem>>, %arg6: memref<1x1x128xf32, #tpu.memory_space<vmem>>, %arg7: memref<1x1000x128xf32, #tpu.memory_space<vmem>>, %arg8: memref<1x1000x128xf32, #tpu.memory_space<vmem>>) attributes {dimension_semantics = [#tpu.dimension_semantics<arbitrary>, #tpu.dimension_semantics<arbitrary>], iteration_bounds = array<i64: 2, 10>, scalar_prefetch = 0 : i64, scratch_operands = 0 : i64, tpu.core_type = #tpu.core_type<tc>, window_params = [{transform_indices = @transform_0, window_bounds = array<i64: 1, 1000, 128>}, {transform_indices = @transform_1, window_bounds = array<i64: 1, 128, 128>}, {transform_indices = @transform_2, window_bounds = array<i64: 1, 1, 128>}, {transform_indices = @transform_3, window_bounds = array<i64: 1, 128, 128>}, {transform_indices = @transform_4, window_bounds = array<i64: 1, 1, 128>}, {transform_indices = @transform_5, window_bounds = array<i64: 1, 1000, 128>}, {transform_indices = @transform_6, window_bounds = array<i64: 1, 1000, 128>}]} {
    %get3A = arith.constant 0 : index
    %get3A_0 = arith.constant 0 : index
    %get3A_1 = arith.constant 0 : index
    %get3A_2 = vector.load %arg2[%get3A, %get3A_0, %get3A_1] : memref<1x1000x128xf32, #tpu.memory_space<vmem>>, vector<1x1000x128xf32>
    %get3A_3 = vector.shape_cast %get3A_2 : vector<1x1000x128xf32> to vector<1000x128xf32>
    %get3A_4 = arith.constant 0 : index
    %get3A_5 = arith.constant 0 : index
    %get3A_6 = arith.constant 0 : index
    %get3A_7 = vector.load %arg3[%get3A_4, %get3A_5, %get3A_6] : memref<1x128x128xf32, #tpu.memory_space<vmem>>, vector<1x128x128xf32>
    %get3A_8 = vector.shape_cast %get3A_7 : vector<1x128x128xf32> to vector<128x128xf32>
    %dot_general3A = arith.constant dense<0.000000e+00> : vector<1000x128xf32>
    %dot_general3A_9 = tpu.matmul %get3A_3, %get3A_8, %dot_general3A {dimension_numbers = #tpu.dot_dimension_numbers<[1], [0], [0], [1], [0, 0, 1, 1], [], []>, transpose_lhs_hint = false} : vector<1000x128xf32>, vector<128x128xf32>, vector<1000x128xf32> -> vector<1000x128xf32>
    %get3A_10 = arith.constant 0 : index
    %get3A_11 = arith.constant 0 : index
    %get3A_12 = arith.constant 0 : index
    %get3A_13 = vector.load %arg4[%get3A_10, %get3A_11, %get3A_12] : memref<1x1x128xf32, #tpu.memory_space<vmem>>, vector<1x1x128xf32>
    %get3A_14 = vector.shape_cast %get3A_13 : vector<1x1x128xf32> to vector<1x128xf32>
    %add3A = vector.broadcast %get3A_14 : vector<1x128xf32> to vector<1000x128xf32>
    %add3A_15 = arith.addf %dot_general3A_9, %add3A : vector<1000x128xf32>
    %max3A = arith.constant 0.000000e+00 : f32
    %max3A_16 = vector.broadcast %max3A : f32 to vector<1000x128xf32>
    %max3A_17 = arith.maximumf %add3A_15, %max3A_16 : vector<1000x128xf32>
    %swap3A = arith.constant 0 : index
    %swap3A_18 = arith.constant 0 : index
    %swap3A_19 = arith.constant 0 : index
    %swap3A_20 = vector.load %arg7[%swap3A, %swap3A_18, %swap3A_19] : memref<1x1000x128xf32, #tpu.memory_space<vmem>>, vector<1x1000x128xf32>
    %swap3A_21 = vector.shape_cast %swap3A_20 : vector<1x1000x128xf32> to vector<1000x128xf32>
    %swap3A_22 = vector.shape_cast %max3A_17 : vector<1000x128xf32> to vector<1x1000x128xf32>
    tpu.vector_store %arg7[%swap3A, %swap3A_18, %swap3A_19], %swap3A_22 {strides = array<i32>} : memref<1x1000x128xf32, #tpu.memory_space<vmem>>, vector<1x1000x128xf32>,
    %get3A_23 = arith.constant 0 : index
    %get3A_24 = arith.constant 0 : index
    %get3A_25 = arith.constant 0 : index
    %get3A_26 = vector.load %arg5[%get3A_23, %get3A_24, %get3A_25] : memref<1x128x128xf32, #tpu.memory_space<vmem>>, vector<1x128x128xf32>
    %get3A_27 = vector.shape_cast %get3A_26 : vector<1x128x128xf32> to vector<128x128xf32>
    %dot_general3A_28 = arith.constant dense<0.000000e+00> : vector<1000x128xf32>
    %dot_general3A_29 = tpu.matmul %max3A_17, %get3A_27, %dot_general3A_28 {dimension_numbers = #tpu.dot_dimension_numbers<[1], [0], [0], [1], [0, 0, 1, 1], [], []>, transpose_lhs_hint = false} : vector<1000x128xf32>, vector<128x128xf32>, vector<1000x128xf32> -> vector<1000x128xf32>
    %get3A_30 = arith.constant 0 : index
    %get3A_31 = arith.constant 0 : index
    %get3A_32 = arith.constant 0 : index
    %get3A_33 = vector.load %arg6[%get3A_30, %get3A_31, %get3A_32] : memref<1x1x128xf32, #tpu.memory_space<vmem>>, vector<1x1x128xf32>
    %get3A_34 = vector.shape_cast %get3A_33 : vector<1x1x128xf32> to vector<1x128xf32>
    %add3A_35 = vector.broadcast %get3A_34 : vector<1x128xf32> to vector<1000x128xf32>
    %add3A_36 = arith.addf %dot_general3A_29, %add3A_35 : vector<1000x128xf32>
    %swap3A_37 = arith.constant 0 : index
    %swap3A_38 = arith.constant 0 : index
    %swap3A_39 = arith.constant 0 : index
    %swap3A_40 = vector.load %arg8[%swap3A_37, %swap3A_38, %swap3A_39] : memref<1x1000x128xf32, #tpu.memory_space<vmem>>, vector<1x1000x128xf32>
    %swap3A_41 = vector.shape_cast %swap3A_40 : vector<1x1000x128xf32> to vector<1000x128xf32>
    %swap3A_42 = vector.shape_cast %add3A_36 : vector<1000x128xf32> to vector<1x1000x128xf32>
    tpu.vector_store %arg8[%swap3A_37, %swap3A_38, %swap3A_39], %swap3A_42 {strides = array<i32>} : memref<1x1000x128xf32, #tpu.memory_space<vmem>>, vector<1x1000x128xf32>,
    return
  }
  func.func @transform_0(%arg0: i32, %arg1: i32) -> (i32, i32, i32) {
    %c0_i32 = arith.constant 0 : i32
    %c0_i32_0 = arith.constant 0 : i32
    return %arg0, %arg1, %c0_i32 : i32, i32, i32
  }
  func.func @transform_1(%arg0: i32, %arg1: i32) -> (i32, i32, i32) {
    %c0_i32 = arith.constant 0 : i32
    %c0_i32_0 = arith.constant 0 : i32
    %c0_i32_1 = arith.constant 0 : i32
    return %arg0, %c0_i32, %c0_i32_0 : i32, i32, i32
  }
  func.func @transform_2(%arg0: i32, %arg1: i32) -> (i32, i32, i32) {
    %c0_i32 = arith.constant 0 : i32
    %c0_i32_0 = arith.constant 0 : i32
    %c0_i32_1 = arith.constant 0 : i32
    return %arg0, %c0_i32, %c0_i32_0 : i32, i32, i32
  }
  func.func @transform_3(%arg0: i32, %arg1: i32) -> (i32, i32, i32) {
    %c0_i32 = arith.constant 0 : i32
    %c0_i32_0 = arith.constant 0 : i32
    %c0_i32_1 = arith.constant 0 : i32
    return %arg0, %c0_i32, %c0_i32_0 : i32, i32, i32
  }
  func.func @transform_4(%arg0: i32, %arg1: i32) -> (i32, i32, i32) {
    %c0_i32 = arith.constant 0 : i32
    %c0_i32_0 = arith.constant 0 : i32
    %c0_i32_1 = arith.constant 0 : i32
    return %arg0, %c0_i32, %c0_i32_0 : i32, i32, i32
  }
  func.func @transform_5(%arg0: i32, %arg1: i32) -> (i32, i32, i32) {
    %c0_i32 = arith.constant 0 : i32
    %c0_i32_0 = arith.constant 0 : i32
    return %arg0, %arg1, %c0_i32 : i32, i32, i32
  }
  func.func @transform_6(%arg0: i32, %arg1: i32) -> (i32, i32, i32) {
    %c0_i32 = arith.constant 0 : i32
    %c0_i32_0 = arith.constant 0 : i32
    return %arg0, %arg1, %c0_i32 : i32, i32, i32
  }
}

module attributes {stable_mosaic.version = 14 : i64} {
  func.func @_out_body(%arg0: i32, %arg1: i32, %arg2: memref<1x1000x128xf32, #tpu.memory_space<vmem>>, %arg3: memref<1x1000x16xf32, #tpu.memory_space<vmem>>, %arg4: memref<1x1000x128xf32, #tpu.memory_space<vmem>>, %arg5: memref<1x128x128xf32, #tpu.memory_space<vmem>>, %arg6: memref<1x8x128xf32, #tpu.memory_space<vmem>>) attributes {dimension_semantics = [#tpu.dimension_semantics<arbitrary>, #tpu.dimension_semantics<arbitrary>], iteration_bounds = array<i64: 2, 10>, scalar_prefetch = 0 : i64, scratch_operands = 0 : i64, tpu.core_type = #tpu.core_type<tc>, window_params = [{transform_indices = @transform_0, window_bounds = array<i64: 1, 1000, 128>}, {transform_indices = @transform_1, window_bounds = array<i64: 1, 1000, 16>}, {transform_indices = @transform_2, window_bounds = array<i64: 1, 1000, 128>}, {transform_indices = @transform_3, window_bounds = array<i64: 1, 128, 128>}, {transform_indices = @transform_4, window_bounds = array<i64: 1, 8, 128>}]} {
    %get3A = arith.constant 0 : index
    %get3A_0 = arith.constant 0 : index
    %get3A_1 = arith.constant 0 : index
    %get3A_2 = vector.load %arg3[%get3A, %get3A_0, %get3A_1] : memref<1x1000x16xf32, #tpu.memory_space<vmem>>, vector<1x1000x16xf32>
    %get3A_3 = vector.shape_cast %get3A_2 : vector<1x1000x16xf32> to vector<1000x16xf32>
    %reduce_sum3A = arith.constant dense<0.000000e+00> : vector<1000xf32>
    %reduce_sum3A_4 = vector.multi_reduction <add>, %get3A_3, %reduce_sum3A [1] : vector<1000x16xf32> to vector<1000xf32>
    %get3A_5 = arith.constant 0 : index
    %get3A_6 = arith.constant 0 : index
    %get3A_7 = arith.constant 0 : index
    %get3A_8 = vector.load %arg2[%get3A_5, %get3A_6, %get3A_7] : memref<1x1000x128xf32, #tpu.memory_space<vmem>>, vector<1x1000x128xf32>
    %get3A_9 = vector.shape_cast %get3A_8 : vector<1x1000x128xf32> to vector<1000x128xf32>
    %get3A_10 = arith.constant 0 : index
    %get3A_11 = arith.constant 0 : index
    %get3A_12 = arith.constant 0 : index
    %get3A_13 = vector.load %arg5[%get3A_10, %get3A_11, %get3A_12] : memref<1x128x128xf32, #tpu.memory_space<vmem>>, vector<1x128x128xf32>
    %get3A_14 = vector.shape_cast %get3A_13 : vector<1x128x128xf32> to vector<128x128xf32>
    %dot_general3A = arith.constant dense<0.000000e+00> : vector<1000x128xf32>
    %dot_general3A_15 = tpu.matmul %get3A_9, %get3A_14, %dot_general3A {dimension_numbers = #tpu.dot_dimension_numbers<[1], [0], [0], [1], [0, 0, 1, 1], [], []>, transpose_lhs_hint = false} : vector<1000x128xf32>, vector<128x128xf32>, vector<1000x128xf32> -> vector<1000x128xf32>
    %max3A = arith.constant 1.000000e+00 : f32
    %max3A_16 = vector.broadcast %max3A : f32 to vector<1000xf32>
    %max3A_17 = arith.maximumf %reduce_sum3A_4, %max3A_16 : vector<1000xf32>
    %broadcast_in_dim3A = vector.shape_cast %max3A_17 : vector<1000xf32> to vector<1000x1xf32>
    %div3A = vector.broadcast %broadcast_in_dim3A : vector<1000x1xf32> to vector<1000x128xf32>
    %div3A_18 = arith.divf %dot_general3A_15, %div3A : vector<1000x128xf32>
    %get3A_19 = arith.constant 0 : index
    %get3A_20 = arith.constant 0 : index
    %get3A_21 = arith.constant 0 : index
    %get3A_22 = vector.load %arg4[%get3A_19, %get3A_20, %get3A_21] : memref<1x1000x128xf32, #tpu.memory_space<vmem>>, vector<1x1000x128xf32>
    %get3A_23 = vector.shape_cast %get3A_22 : vector<1x1000x128xf32> to vector<1000x128xf32>
    %add3A = arith.addf %div3A_18, %get3A_23 : vector<1000x128xf32>
    %max3A_24 = arith.constant 0.000000e+00 : f32
    %max3A_25 = vector.broadcast %max3A_24 : f32 to vector<1000x128xf32>
    %max3A_26 = arith.maximumf %add3A, %max3A_25 : vector<1000x128xf32>
    %reduce_sum3A_27 = arith.constant dense<0.000000e+00> : vector<128xf32>
    %reduce_sum3A_28 = vector.multi_reduction <add>, %max3A_26, %reduce_sum3A_27 [0] : vector<1000x128xf32> to vector<128xf32>
    %eq3A = arith.constant 0 : i32
    %eq3A_29 = arith.cmpi eq, %arg1, %eq3A : i32
    %convert_element_type3A = arith.extui %eq3A_29 : i1 to i32
    %cond3A = arith.constant 0 : i32
    %cond3A_30 = arith.cmpi ne, %convert_element_type3A, %cond3A : i32
    scf.if %cond3A_30 {
      %broadcast_in_dim3A_42 = arith.constant 0.000000e+00 : f32
      %broadcast_in_dim3A_43 = vector.broadcast %broadcast_in_dim3A_42 : f32 to vector<8x128xf32>
      %swap3A_44 = arith.constant 0 : index
      %swap3A_45 = arith.constant 0 : index
      %swap3A_46 = arith.constant 0 : index
      %swap3A_47 = vector.load %arg6[%swap3A_44, %swap3A_45, %swap3A_46] : memref<1x8x128xf32, #tpu.memory_space<vmem>>, vector<1x8x128xf32>
      %swap3A_48 = vector.shape_cast %swap3A_47 : vector<1x8x128xf32> to vector<8x128xf32>
      %swap3A_49 = vector.shape_cast %broadcast_in_dim3A_43 : vector<8x128xf32> to vector<1x8x128xf32>
      tpu.vector_store %arg6[%swap3A_44, %swap3A_45, %swap3A_46], %swap3A_49 {strides = array<i32>} : memref<1x8x128xf32, #tpu.memory_space<vmem>>, vector<1x8x128xf32>,
    } else {
    }
    %get3A_31 = arith.constant 0 : index
    %get3A_32 = arith.constant 0 : index
    %get3A_33 = arith.constant 0 : index
    %get3A_34 = vector.load %arg6[%get3A_31, %get3A_32, %get3A_33] : memref<1x8x128xf32, #tpu.memory_space<vmem>>, vector<1x1x128xf32>
    %get3A_35 = vector.shape_cast %get3A_34 : vector<1x1x128xf32> to vector<128xf32>
    %add3A_36 = arith.addf %get3A_35, %reduce_sum3A_28 : vector<128xf32>
    %swap3A = arith.constant 0 : index
    %swap3A_37 = arith.constant 0 : index
    %swap3A_38 = arith.constant 0 : index
    %swap3A_39 = vector.load %arg6[%swap3A, %swap3A_37, %swap3A_38] : memref<1x8x128xf32, #tpu.memory_space<vmem>>, vector<1x1x128xf32>
    %swap3A_40 = vector.shape_cast %swap3A_39 : vector<1x1x128xf32> to vector<128xf32>
    %swap3A_41 = vector.shape_cast %add3A_36 : vector<128xf32> to vector<1x1x128xf32>
    tpu.vector_store %arg6[%swap3A, %swap3A_37, %swap3A_38], %swap3A_41 {strides = array<i32>} : memref<1x8x128xf32, #tpu.memory_space<vmem>>, vector<1x1x128xf32>,
    return
  }
  func.func @transform_0(%arg0: i32, %arg1: i32) -> (i32, i32, i32) {
    %c0_i32 = arith.constant 0 : i32
    %c0_i32_0 = arith.constant 0 : i32
    return %arg0, %arg1, %c0_i32 : i32, i32, i32
  }
  func.func @transform_1(%arg0: i32, %arg1: i32) -> (i32, i32, i32) {
    %c0_i32 = arith.constant 0 : i32
    %c0_i32_0 = arith.constant 0 : i32
    return %arg0, %arg1, %c0_i32 : i32, i32, i32
  }
  func.func @transform_2(%arg0: i32, %arg1: i32) -> (i32, i32, i32) {
    %c0_i32 = arith.constant 0 : i32
    %c0_i32_0 = arith.constant 0 : i32
    return %arg0, %arg1, %c0_i32 : i32, i32, i32
  }
  func.func @transform_3(%arg0: i32, %arg1: i32) -> (i32, i32, i32) {
    %c0_i32 = arith.constant 0 : i32
    %c0_i32_0 = arith.constant 0 : i32
    %c0_i32_1 = arith.constant 0 : i32
    return %arg0, %c0_i32, %c0_i32_0 : i32, i32, i32
  }
  func.func @transform_4(%arg0: i32, %arg1: i32) -> (i32, i32, i32) {
    %c0_i32 = arith.constant 0 : i32
    %c0_i32_0 = arith.constant 0 : i32
    %c0_i32_1 = arith.constant 0 : i32
    return %arg0, %c0_i32, %c0_i32_0 : i32, i32, i32
  }
}

</mosaic_0001>

<sc_bundles>
// kernel: seg_sum_sc.3.cloned.1.call-start
scs
__scs_entry_jumppad:
0x0: {  	(pc) =	sbr.rel $0x88, $3  }
0x1: {  	(tag) =	ssettag $0x0;
	lr =	simm.s32 $0x1  }
0x2: {  	[smem:$0x3F93] =	sst lr;
	_ =	strace $0xD0000000  }
0x3: {  	_ = 	snop  }
0x4: {  	_ = 	snop  }
0x5: {  	_ = 	snop  }
0x6: {  	_ = 	snop  }
0x7: {  	_ = 	snop  }
__scs_overlays_trampoline_lowered:
0x8: {  	[smem:$0x3FA2] =	sst s0  }
0x9: {  	[smem:$0x3FA3] =	sst s1  }
0xa: {  	[smem:$0x3FA4] =	sst s2  }
0xb: {  	[smem:$0x3FA5] =	sst s3  }
0xc: {  	[smem:$0x3FA6] =	sst s4  }
0xd: {  	[smem:$0x3FA7] =	sst s5  }
0xe: {  	[smem:$0x3FA8] =	sst s6  }
0xf: {  	[smem:$0x3FA9] =	sst s7  }
0x10: {  	[smem:$0x3FAA] =	sst s8  }
0x11: {  	[smem:$0x3FAB] =	sst s9;
	s0 =	simm.s32 @!p0 $0x0  }
0x12: {  	s1 =	sld [smem:$0x3F91];
	s0 =	simm.s32 @p0 $0x1  }
0x13: {  	[smem:$0x3FAC] =	sst s0;
	s0 =	simm.s32 @!p1 $0x0  }
0x14: {  	s2 =	sld [smem:$0x3F90];
	s0 =	simm.s32 @p1 $0x1  }
0x15: {  	[smem:$0x3FAD] =	sst s0;
	s0 =	simm.s32 @!p2 $0x0  }
0x16: {  	s3 =	sld [smem:$0x3FDB];
	s0 =	simm.s32 @p2 $0x1  }
0x17: {  	s4 =	simm.s32 $0x1BF5;
	[smem:$0x3FAF] =	sst s0  }
0x18: {  	s0 =	sld [smem:$0x3F92];
	_ =	swait.ge [sflag:s4], $0x0  }
0x19: {  	s7 =	sld [smem:$0x3F93]  }
0x1a: {  	s8 =	sadd.s32 $0xFFFFE003, lr  }
0x1b: {  	s9 =	sadd.s32 $0xFFFFFEF7, lr;
	s5 =	simm.s32 $0xFFFFFFFF;
	p2 =	slt.u32 s8, $0xFFFFF086  }
0x1c: {  	p1 =	slt.u32 s9, $0xF7A;
	s5 =	simm.s32 @!p2 $0x0  }
0x1d: {  	s5 =	simm.s32 @p1 $0x1;
	p0 =	seq.s32 s7, s2  }
0x1e: {  	s7 =	smul.u32 @!p0 $0xF7A, s2;
	p2 =	seq.s32 @!p0 s5, $0x0  }
0x1f: {  	s9 =	smul.u32 $0xF7A, s1;
	s8 =	simm.s32 @!p0 $0x1BF5;
	p2 =	por !p2, p0  }
0x20: {  	[sflag:s8] =	ssyncset.s32 @!p0 $0xFFFFF086;
	s6 =	sadd.s32 @!p0 s3, s7;
	s7 =	simm.s32 @!p0 $0x108  }
0x21: {  	s3 =	sadd.s32 s3, s9;
	s6 =	sadd.s32 @!p0 $0x88, s6;
	s7 =	simm.s32 @p2 $0x1082  }
0x22: {  	[simem:s7], [sflag:s8] =	dma.local @!p0 [hbm:s6], $0xF7A  }
0x23: {  	s9 =	sor.u32 $0xD0000000, s2;
	s6 =	simm.s32 $0x108;
	_ =	swait.ge @!p0 [sflag:s8], $0x0  }
0x24: {  	s3 =	sadd.s32 $0x88, s3;
	s6 =	simm.s32 @!p1 $0x1082;
	[sflag:s4] =	ssyncset.s32 $0xFFFFF086  }
0x25: {  	[simem:s6], [sflag:s4] =	dma.local [hbm:s3], $0xF7A  }
0x26: {  	[smem:$0x3F93] =	sst s1;
	(tag) =	ssettag s2;
	_ =	strace s9  }
0x27: {  	s1 =	sld [smem:$0x3FA3]  }
0x28: {  	s2 =	sld [smem:$0x3FA4]  }
0x29: {  	s4 =	sld [smem:$0x3FA6]  }
0x2a: {  	p0 =	seq.s32 s5, $0x0;
	s5 =	sld [smem:$0x3FA7]  }
0x2b: {  	s6 =	sld [smem:$0x3FA8]  }
0x2c: {  	s7 =	sld [smem:$0x3FA9]  }
0x2d: {  	s3 =	simm.s32 $0x108;
	s8 =	sld [smem:$0x3FAA]  }
0x2e: {  	s3 =	simm.s32 @!p0 $0x1082;
	s9 =	sld [smem:$0x3FAB]  }
0x2f: {  	lr =	sadd.s32 s0, s3;
	s0 =	sld [smem:$0x3FA2]  }
0x30: {  	s3 =	sld [smem:$0x3FA5]  }
0x31: {  	[smem:$0x3FAE] =	sst s10  }
0x32: {  	s10 =	sld [smem:$0x3FAC];
	_ =	sdelay $0x3  }
0x33: {  	p0 =	seq.s32 s10, $0x1;
	s10 =	sld [smem:$0x3FAE];
	_ =	sdelay $0x3  }
0x34: {  	[smem:$0x3FAE] =	sst s10  }
0x35: {  	s10 =	sld [smem:$0x3FAD];
	_ =	sdelay $0x3  }
0x36: {  	p1 =	seq.s32 s10, $0x1;
	s10 =	sld [smem:$0x3FAE];
	_ =	sdelay $0x3  }
0x37: {  	[smem:$0x3FAE] =	sst s10  }
0x38: {  	s10 =	sld [smem:$0x3FAF]  }
0x39: {  	_ = 	snop;
	(pc) =	sbr.ind lr, $3  }
0x3a: {  	_ = 	snop  }
0x3b: {  	_ = 	snop  }
0x3c: {  	p2 =	seq.s32 s10, $0x1;
	s10 =	sld [smem:$0x3FAE]  }
0x3d: {  	_ =	shalt  }
0x3e: {  	_ =	shalt  }
0x3f: {  	_ =	shalt  }
0x40: {  	_ =	shalt  }
0x41: {  	_ =	shalt  }
0x42: {  	_ =	shalt  }
0x43: {  	_ =	shalt  }
0x44: {  	_ =	shalt  }
0x45: {  	_ =	shalt  }
0x46: {  	_ =	shalt  }
0x47: {  	_ =	shalt  }
0x48: {  	_ =	shalt  }
0x49: {  	_ =	shalt  }
0x4a: {  	_ =	shalt  }
0x4b: {  	_ =	shalt  }
0x4c: {  	_ =	shalt  }
0x4d: {  	_ =	shalt  }
0x4e: {  	_ =	shalt  }
0x4f: {  	_ =	shalt  }
0x50: {  	_ =	shalt  }
0x51: {  	_ =	shalt  }
0x52: {  	_ =	shalt  }
0x53: {  	_ =	shalt  }
0x54: {  	_ =	shalt  }
0x55: {  	_ =	shalt  }
0x56: {  	_ =	shalt  }
0x57: {  	_ =	shalt  }
0x58: {  	_ =	shalt  }
0x59: {  	_ =	shalt  }
0x5a: {  	_ =	shalt  }
0x5b: {  	_ =	shalt  }
0x5c: {  	_ =	shalt  }
0x5d: {  	_ =	shalt  }
0x5e: {  	_ =	shalt  }
0x5f: {  	_ =	shalt  }
0x60: {  	_ =	shalt  }
0x61: {  	_ =	shalt  }
0x62: {  	_ =	shalt  }
0x63: {  	_ =	shalt  }
0x64: {  	_ =	shalt  }
0x65: {  	_ =	shalt  }
0x66: {  	_ =	shalt  }
0x67: {  	_ =	shalt  }
0x68: {  	_ =	shalt  }
0x69: {  	_ =	shalt  }
0x6a: {  	_ =	shalt  }
0x6b: {  	_ =	shalt  }
0x6c: {  	_ =	shalt  }
0x6d: {  	_ =	shalt  }
0x6e: {  	_ =	shalt  }
0x6f: {  	_ =	shalt  }
0x70: {  	_ =	shalt  }
0x71: {  	_ =	shalt  }
0x72: {  	_ =	shalt  }
0x73: {  	_ =	shalt  }
0x74: {  	_ =	shalt  }
0x75: {  	_ =	shalt  }
0x76: {  	_ =	shalt  }
0x77: {  	_ =	shalt  }
0x78: {  	_ =	shalt  }
0x79: {  	_ =	shalt  }
0x7a: {  	_ =	shalt  }
0x7b: {  	_ =	shalt  }
0x7c: {  	_ =	shalt  }
0x7d: {  	_ =	shalt  }
0x7e: {  	_ =	shalt  }
0x7f: {  	_ =	shalt  }
0x80: {  	_ =	shalt  }
0x81: {  	_ =	shalt  }
0x82: {  	_ =	shalt  }
0x83: {  	_ =	shalt  }
0x84: {  	_ =	shalt  }
0x85: {  	_ =	shalt  }
0x86: {  	_ =	shalt  }
0x87: {  	_ =	shalt  }
.Lfunc_end0:
.L_simem_size_0:
called_computation_lowered:
.L_overlay_start_0:
0x88: {  	s2 =	sld [smem:$0x3FD9]  }
0x89: {  	s3 =	sld [smem:$0x3FFE];
	_ =	sdelay $0x1  }
0x8a: {  	s1 =	srdreg.scid  }
0x8b: {  	s0 =	sand.u32 $0x1, s1  }
0x8c: {  	s16 =	sshll.u32 s0, $0xA;
	s2 =	sadd.s32 s3, s2  }
0x8d: {  	s2 =	sadd.s32 s2, s16  }
0x8e: {  	[smem:$0x3FBA] =	sst s2  }
0x8f: {  	_ = 	snop  }
0x90: {  	(tm) =	ssettm $0x1  }
0x91: {  	s17 =	sld [smem:$0x3FFB];
	_ =	sdelay $0x3  }
0x92: {  	_ =	strace s17  }
0x93: {  	s2 =	sld [smem:$0x3FFC];
	_ =	sdelay $0x3  }
0x94: {  	_ =	strace s2  }
0x95: {  	s2 =	sld [smem:$0x3FFD];
	_ =	sdelay $0x3  }
0x96: {  	_ =	strace s2  }
0x97: {  	_ =	strace $0x8FFFFFFF  }
0x98: {  	s18 =	sld [smem:$0x3FDB];
	_ =	sdelay $0x1  }
0x99: {  	s19 =	simm.s32 $_scs_section_size  }
0x9a: {  	s4 =	simm.s32 $_size__tile_overlayer_lowered;
	s5 =	simm.s32 $_tile_overlayer_lowered  }
0x9b: {  	s22 =	simm.s32 $0x1BFF;
	s21 =	sshll.u32 s5, $0x1;
	s2 =	sadd.s32 s19, s18  }
0x9c: {  	s6 =	simm.s32 $0x0;
	s20 =	sshll.u32 s4, $0x1;
	s4 =	sadd.s32 s21, s2  }
0x9d: {  	[timem:s6], [sflag:s22] =	dma.local [hbm:s4], s20  }
0x9e: {  	_ =	swait.ge [sflag:s22], s20  }
0x9f: {  	s3 =	ssub.s32 $0x0, s20;
	[sflag:s22] =	ssyncset.done $0x0  }
0xa0: {  	[sflag:s22] =	ssyncadd.s32 s3;
	_ =	sdelay $0x1  }
0xa1: {  	s23 =	simm.s32 $0x1B8B  }
0xa2: {  	_ =	swait.ge [sflag:s23], $0x1  }
0xa3: {  	[sflag:s23] =	ssyncset.done $0x0  }
0xa4: {  	s25 =	simm.s32 $0x1B8E;
	s24 =	sld [smem:$0x3FFE];
	[sflag:s23] =	ssyncadd.s32 $0xFFFFFFFF  }
0xa5: {  	s26 =	simm.s32 $execute0_lowered;
	[smem:$0x3FD2] =	sst s25  }
0xa6: {  	s4 =	sshll.u32 s26, $0x1;
	_ =	strace $0x80000046;
	[dreg:$0x1] =	wrdreg $0xFFFFFFFF  }
0xa7: {  	s28 =	simm.s32 $_size_execute0_lowered;
	s2 =	sadd.s32 s2, s4;
	[dreg:$0x0] =	wrdreg $0x0  }
0xa8: {  	s4 =	sshll.u32 s28, $0x1;
	[dreg:$0x2] =	wrdreg s2  }
0xa9: {  	[dreg:$0x3] =	wrdreg s4  }
0xaa: {  	[dreg:$0x4] =	wrdreg $0xC0  }
0xab: {  	_ =	task [dreg:s6], $0x5FFFF  }
0xac: {  	[dreg:$0x1] =	wrdreg $0xFFFFFFFF  }
0xad: {  	[dreg:$0x0] =	wrdreg $0x60  }
0xae: {  	[dreg:$0x2] =	wrdreg s24  }
0xaf: {  	[dreg:$0x3] =	wrdreg $0x5F800  }
0xb0: {  	[dreg:$0x4] =	wrdreg $0x9  }
0xb1: {  	_ =	task.clear_ibuf [dreg:s6], $0x5FFFF;
	_ =	strace $0x90000046  }
0xb2: {  	s29 =	simm.s32 $0x9;
	_ =	strace $0x80000048  }
0xb3: {  	_ =	swait.ge [sflag:s29], $0x1  }
0xb4: {  	[sflag:s29] =	ssyncadd.s32 $0xFFFFFFFF  }
0xb5: {  	_ =	strace $0x90000048  }
0xb6: {  	_ =	sfence  }
0xb7: {  	s30 =	sld [smem:$0x0];
	_ =	sdelay $0x2  }
0xb8: {  	s31 =	sshll.u32 s1, $0xD;
	s1 =	sshrl.u32 s1, $0x2  }
0xb9: {  	s3 =	sand.u32 $0x4000, s31;
	s1 =	sadd.s32 s1, s30  }
0xba: {  	s0 =	sor.u32 s3, s0;
	s1 =	sshll.u32 s1, $0x11  }
0xbb: {  	s0 =	sor.u32 s1, s0  }
0xbc: {  	s0 =	sadd.s32 $0x8F2B, s0  }
0xbd: {  	[sflag:s0] =	ssyncadd.remote.s32 $0x1  }
0xbe: {  	_ =	sfence.sel $0xFFFF  }
0xbf: {  	[dreg:$0x0] =	wrdreg $0xFFFFFFFF;
	(pc) =	sbr.abs _section_cstart, $3  }
0xc0: {  	[dreg:$0x1] =	wrdreg $0xFFFFFFFF  }
0xc1: {  	_ =	task.clear_ibuf [dreg:s6], $0x2FFFF;
	_ =	strace $0x9FFFFFFF  }
0xc2: {  	(tm) =	ssettm $0x7FFFFFFF  }
0xc3: {  	_ =	shalt  }
tec
execute0_lowered:
.L_overlay_start_1:
0x0: {  	(tag) =	ssettag $0x1  }
0x1: {  	s0 =	rddreg [dreg:$0x0]  }
0x2: {  	s1 =	rddreg [dreg:$0x1];
	s2 =	srdreg.scid  }
0x3: {  	s3 =	simm.s32 $0x0;
	s12 =	stileid.u32;
	s30 =	simm.s32 $0x80  }
0x4: {  	s31 =	simm.s32 $0x2000;
	s29 =	simm.s32 $0x4;
	s28 =	simm.s32 $0x3  }
0x5: {  	s2 =	sand.u32 $0x1, s2;
	[smem:$0x7FF] =	sst s3;
	s8 =	smul.u32 $0x13C00, s12  }
0x6: {  	s6 =	sshrl.u32 s12, $0x3;
	s4 =	sadd.s32 $0x2600, s0;
	s5 =	sadd.s32 $0x36A00, s0  }
0x7: {  	s26 =	sshll.u32 s12, $0x7;
	s11 =	sadd.s32 $0xB9000, s0;
	s7 =	smul.u32 $0x13C000, s2  }
0x8: {  	s18 =	sshll.u32 s12, $0x6;
	_ =	strace $0x80000047;
	s9 =	smul.u32 $0x27800, s2  }
0x9: {  	s10 =	smul.u32 $0x13C00, s6;
	s6 =	sadd.s32 $0x6AE00, s0;
	[dreg:$0x3] =	wrdreg s11  }
0xa: {  	s13 =	ssub.s32 $0x2, s2;
	s2 =	sshll.u32 s2, $0x4;
	s11 =	smul.u32 $0x4E400, s12  }
0xb: {  	s14 =	sshrl.u32 s13, $0x1;
	s2 =	sor.u32 s12, s2;
	s7 =	sadd.s32 s8, s7  }
0xc: {  	s9 =	sadd.s32 s9, s10;
	s8 =	sand.u32 $0x380, s26;
	s16 =	smul.u32 $0xD100, s2  }
0xd: {  	s15 =	ssub.s32 s13, s14;
	s17 =	sshrl.u32 s11, $0x2;
	s19 =	smul.u32 $0x1A20, s2  }
0xe: {  	s10 =	smul.u32 $0xD1, s2;
	s7 =	sshrl.u32 s7, $0x3;
	s8 =	sor.u32 s8, s9  }
0xf: {  	s9 =	sadd.s32 s17, s1;
	s17 =	smax.u32 s15, $0x1;
	s7 =	sadd.s32 s7, s0  }
0x10: {  	s8 =	sshrl.u32 s8, $0x3;
	[dreg:$0x4] =	wrdreg s9;
	s9 =	sor.u32 $0x1C06, s18  }
0x11: {  	s20 =	sshrl.u32 s16, $0x3;
	s21 =	sadd.s32 s4, s19;
	s23 =	sadd.s32 s5, s19  }
0x12: {  	s26 =	sadd.s32 $0x40, s19;
	s0 =	sadd.s32 s8, s0;
	[dreg:$0x5] =	wrdreg s21  }
0x13: {  	s22 =	sadd.s32 $0x20, s20;
	[dreg:$0x6] =	wrdreg s23;
	s25 =	sadd.s32 $0xC5600, s7  }
0x14: {  	s18 =	sadd.s32 s4, s26;
	s19 =	sadd.s32 s5, s26;
	s20 =	simm.s32 $0x6  }
0x15: {  	s21 =	simm.s32 $0x400;
	s23 =	simm.s32 $0x100;
	s26 =	simm.s32 $0x800  }
0x16: {  	s7 =	simm.s32 $0x0;
	s24 =	sadd.s32 s4, s22;
	s2 =	sadd.s32 s5, s22  }
0x17: {  	[dreg:$0x9] =	wrdreg s25;
	s16 =	sadd.s32 $0xBB800, s0;
	s22 =	simm.s32 $0x5  }
0x18: {  	s25 =	simm.s32 $0x30;
	s0 =	simm.s32 $0x3800;
	[dreg:$0x7] =	wrdreg s24  }
0x19: {  	v0 =	vimm.f32 $0.0e+00;
	v1 =	vimm.f32 $1.000000000e+00;
	[dreg:$0x8] =	wrdreg s2;
	s2 =	simm.s32 $0x1;
	s24 =	simm.s32 $0x2  }
.LBB2_1:
0x1a: {  	s8 =	simm.s32 $0x40;
	s11 =	simm.s32 $0x0  }
.LBB2_2:
0x1b: {  	p0 =	sne.s32 s8, $0x9C40;
	[tilespmem:s11+$0x3800] =	vst v0;
	s11 =	smov.u32 s8;
	s8 =	sadd.s32 $0x40, s8  }
.Ltmp0:
0x1c: {  	(pc) =	sbr.rel @p0 .LBB2_2-.Ltmp0, $2  }
0x1d: {  	_ =	sdelay $0x2  }
0x1e: {  	s11 =	sshra.s32 s11, $0x2  }
0x1f: {  	s8 =	rddreg [dreg:$0x4]  }
0x20: {  	[tilespmem:s11+$0x3800] =	vst v0;
	s15 =	rddreg [dreg:$0x3];
	s8 =	sshrl.u32 s8, $0x3  }
0x21: {  	[spmem:s8], [sflag:s9] =	dma.local [hbm:s15], $0x2720  }
0x22: {  	_ =	swait.ge [sflag:s20], $0x2720  }
0x23: {  	[sflag:s20] =	ssyncset.done $0x0  }
0x24: {  	[sflag:s20] =	ssyncadd.s32 $0xFFFFD8E0  }
0x25: {  	[bflag:$0x0] =	sbarrier.arrive $0xFFFF  }
0x26: {  	s12 =	rddreg [dreg:$0x5]  }
0x27: {  	[tilespmem:s3], [sflag:$0x5] =	stream.linear.gather [hbm4b:s12+s3], $0x100, $0x38;
	[tilespmem:$0x19880] =	vst v63  }
0x28: {  	s13 =	rddreg [dreg:$0x6]  }
0x29: {  	[tilespmem:s21], [sflag:$0x5] =	stream.linear.gather [hbm4b:s13+s3], $0x100, $0x38;
	[tilespmem:$0x19880] =	vst v63  }
0x2a: {  	_ =	swait.ge [sflag:s22], $0x100  }
0x2b: {  	[sflag:s22] =	ssyncset.done $0x0  }
0x2c: {  	[sflag:s22] =	ssyncadd.s32 $0xFFFFFF00  }
0x2d: {  	_ =	swait.ge [sflag:s22], $0x100  }
0x2e: {  	[sflag:s22] =	ssyncset.done $0x0  }
0x2f: {  	s14 =	rddreg [dreg:$0x7];
	[sflag:s22] =	ssyncadd.s32 $0xFFFFFF00  }
0x30: {  	[tilespmem:s23], [sflag:$0x5] =	stream.linear.gather [hbm4b:s14+s3], $0x100, $0x38;
	[tilespmem:$0x19880] =	vst v63  }
0x31: {  	s12 =	simm.s32 $0x500;
	s15 =	rddreg [dreg:$0x8]  }
0x32: {  	[tilespmem:s12], [sflag:$0x5] =	stream.linear.gather [hbm4b:s15+s3], $0x100, $0x38;
	[tilespmem:$0x19880] =	vst v63  }
0x33: {  	_ = 	snop  }
0x34: {  	[tilespmem:s26], [sflag:$0x1] =	stream.indirect.gather [hbm4b:s6+s25], $0x80, s3, s25, $0xb8;
	[tilespmem:$0x19880] =	vst v63  }
0x35: {  	_ =	swait.ge [sflag:s22], $0x100  }
0x36: {  	[sflag:s22] =	ssyncset.done $0x0  }
0x37: {  	[sflag:s22] =	ssyncadd.s32 $0xFFFFFF00  }
0x38: {  	_ =	swait.ge [sflag:s22], $0x100  }
0x39: {  	[sflag:s22] =	ssyncset.done $0x0  }
0x3a: {  	s13 =	simm.s32 $0x200;
	[sflag:s22] =	ssyncadd.s32 $0xFFFFFF00  }
0x3b: {  	[tilespmem:s13], [sflag:$0x5] =	stream.linear.gather [hbm4b:s18+s3], $0x100, $0x38;
	[tilespmem:$0x19880] =	vst v63  }
0x3c: {  	s14 =	simm.s32 $0x600  }
0x3d: {  	[tilespmem:s14], [sflag:$0x5] =	stream.linear.gather [hbm4b:s19+s3], $0x100, $0x38;
	[tilespmem:$0x19880] =	vst v63  }
0x3e: {  	_ = 	snop  }
0x3f: {  	[tilespmem:s31], [sflag:$0x2] =	stream.indirect.gather [hbm4b:s6+s25], $0x80, s30, s25, $0xb8;
	[tilespmem:$0x19880] =	vst v63  }
0x40: {  	v2 =	vld [tilespmem:$0x400];
	_ =	sdelay $0x7  }
0x41: {  	[tilespmem:v2+s0+$0x0] =	vst.idx.add.f32.msk $0xffff, v1  }
0x42: {  	v2 =	vld [tilespmem:$0x410];
	_ =	sdelay $0x7  }
0x43: {  	[tilespmem:v2+s0+$0x0] =	vst.idx.add.f32.msk $0xffff, v1  }
0x44: {  	v2 =	vld [tilespmem:$0x420];
	_ =	sdelay $0x7  }
0x45: {  	[tilespmem:v2+s0+$0x0] =	vst.idx.add.f32.msk $0xffff, v1  }
0x46: {  	_ =	swait.ge [sflag:s2], $0x1800  }
0x47: {  	[sflag:s2] =	ssyncset.done $0x0  }
0x48: {  	s11 =	simm.s32 $0x3;
	[sflag:s2] =	ssyncadd.s32 $0xFFFFE800  }
0x49: {  	[spmem:s1] =	stream.indirect.scatter.add.f32 [tilespmem:s26], [sflag:$0x3], $0x80, s21, s25, $0xb8;
	[tilespmem:$0x19880] =	vst v63  }
0x4a: {  	_ =	swait.ge [sflag:s11], $0x1800  }
0x4b: {  	[sflag:s11] =	ssyncset.done $0x0  }
0x4c: {  	[sflag:s11] =	ssyncadd.s32 $0xFFFFE800  }
0x4d: {  	[tilespmem:s26], [sflag:$0x1] =	stream.indirect.gather [hbm4b:s6+s25], $0x80, s23, s25, $0xb8;
	[tilespmem:$0x19880] =	vst v63  }
0x4e: {  	v2 =	vld [tilespmem:$0x480];
	_ =	sdelay $0x7  }
0x4f: {  	[tilespmem:v2+s0+$0x0] =	vst.idx.add.f32.msk $0xffff, v1  }
0x50: {  	v2 =	vld [tilespmem:$0x490];
	_ =	sdelay $0x7  }
0x51: {  	[tilespmem:v2+s0+$0x0] =	vst.idx.add.f32.msk $0xffff, v1  }
0x52: {  	v2 =	vld [tilespmem:$0x4A0];
	_ =	sdelay $0x7  }
0x53: {  	[tilespmem:v2+s0+$0x0] =	vst.idx.add.f32.msk $0xffff, v1  }
0x54: {  	_ =	swait.ge [sflag:s24], $0x1800  }
0x55: {  	[sflag:s24] =	ssyncset.done $0x0  }
0x56: {  	s15 =	simm.s32 $0x480;
	s12 =	simm.s32 $0x300;
	[sflag:s24] =	ssyncadd.s32 $0xFFFFE800  }
0x57: {  	[spmem:s1] =	stream.indirect.scatter.add.f32 [tilespmem:s31], [sflag:$0x4], $0x80, s15, s25, $0xb8;
	[tilespmem:$0x19880] =	vst v63  }
.LBB2_4:
0x58: {  	_ =	swait.ge [sflag:s22], $0x100  }
0x59: {  	[sflag:s22] =	ssyncset.done $0x0  }
0x5a: {  	s13 =	smin.u32 s11, $0xD0;
	[sflag:s22] =	ssyncadd.s32 $0xFFFFFF00  }
0x5b: {  	s13 =	sadd.s32 s10, s13;
	_ =	swait.ge [sflag:s22], $0x100  }
0x5c: {  	s13 =	sshll.u32 s13, $0x5;
	[sflag:s22] =	ssyncset.done $0x0  }
0x5d: {  	s14 =	sand.u32 $0x300, s12;
	s15 =	sadd.s32 s4, s13;
	[sflag:s22] =	ssyncadd.s32 $0xFFFFFF00  }
0x5e: {  	[tilespmem:s14], [sflag:$0x5] =	stream.linear.gather [hbm4b:s15+s3], $0x100, $0x38;
	[tilespmem:$0x19880] =	vst v63  }
0x5f: {  	s13 =	sadd.s32 s5, s13;
	s14 =	sor.u32 $0x400, s14  }
0x60: {  	[tilespmem:s14], [sflag:$0x5] =	stream.linear.gather [hbm4b:s13+s3], $0x100, $0x38;
	[tilespmem:$0x19880] =	vst v63  }
0x61: {  	s14 =	sadd.s32 $0xFFFFFE00, s12;
	_ =	swait.ge [sflag:s29], $0x1800  }
0x62: {  	s13 =	sand.u32 $0x300, s14;
	[sflag:s29] =	ssyncset.done $0x0  }
0x63: {  	s15 =	sor.u32 $0x80, s13;
	[sflag:s29] =	ssyncadd.s32 $0xFFFFE800  }
0x64: {  	[tilespmem:s31], [sflag:$0x2] =	stream.indirect.gather [hbm4b:s6+s25], $0x80, s15, s25, $0xb8;
	[tilespmem:$0x19880] =	vst v63  }
0x65: {  	v2 =	vld [tilespmem:s13+$0x400];
	_ =	sdelay $0x7  }
0x66: {  	[tilespmem:v2+s0+$0x0] =	vst.idx.add.f32.msk $0xffff, v1  }
0x67: {  	v2 =	vld [tilespmem:s13+$0x410];
	_ =	sdelay $0x7  }
0x68: {  	[tilespmem:v2+s0+$0x0] =	vst.idx.add.f32.msk $0xffff, v1  }
0x69: {  	v2 =	vld [tilespmem:s13+$0x420];
	_ =	sdelay $0x7  }
0x6a: {  	[tilespmem:v2+s0+$0x0] =	vst.idx.add.f32.msk $0xffff, v1  }
0x6b: {  	_ =	swait.ge [sflag:s2], $0x1800  }
0x6c: {  	[sflag:s2] =	ssyncset.done $0x0  }
0x6d: {  	s15 =	sor.u32 $0x400, s13;
	[sflag:s2] =	ssyncadd.s32 $0xFFFFE800  }
0x6e: {  	[spmem:s1] =	stream.indirect.scatter.add.f32 [tilespmem:s26], [sflag:$0x3], $0x80, s15, s25, $0xb8;
	[tilespmem:$0x19880] =	vst v63  }
0x6f: {  	_ =	swait.ge [sflag:s28], $0x1800  }
0x70: {  	s15 =	sadd.s32 $0xFFFFFF00, s12;
	[sflag:s28] =	ssyncset.done $0x0  }
0x71: {  	s14 =	sand.u32 $0x300, s15;
	[sflag:s28] =	ssyncadd.s32 $0xFFFFE800  }
0x72: {  	[tilespmem:s26], [sflag:$0x1] =	stream.indirect.gather [hbm4b:s6+s25], $0x80, s14, s25, $0xb8;
	[tilespmem:$0x19880] =	vst v63  }
0x73: {  	v2 =	vld [tilespmem:s13+$0x480];
	_ =	sdelay $0x7  }
0x74: {  	[tilespmem:v2+s0+$0x0] =	vst.idx.add.f32.msk $0xffff, v1  }
0x75: {  	v2 =	vld [tilespmem:s13+$0x490];
	_ =	sdelay $0x7  }
0x76: {  	[tilespmem:v2+s0+$0x0] =	vst.idx.add.f32.msk $0xffff, v1  }
0x77: {  	v2 =	vld [tilespmem:s13+$0x4A0];
	_ =	sdelay $0x6  }
0x78: {  	p0 =	sne.s32 s11, $0xD2  }
.Ltmp1:
0x79: {  	[tilespmem:v2+s0+$0x0] =	vst.idx.add.f32.msk $0xffff, v1;
	(pc) =	sbr.rel @p0 .LBB2_4-.Ltmp1, $4  }
0x7a: {  	_ =	swait.ge [sflag:s24], $0x1800  }
0x7b: {  	s11 =	sadd.s32 $0x1, s11;
	[sflag:s24] =	ssyncset.done $0x0  }
0x7c: {  	s12 =	sadd.s32 $0x100, s12;
	s13 =	sor.u32 $0x480, s13;
	[sflag:s24] =	ssyncadd.s32 $0xFFFFE800  }
0x7d: {  	[spmem:s1] =	stream.indirect.scatter.add.f32 [tilespmem:s31], [sflag:$0x4], $0x80, s13, s25, $0xb8;
	[tilespmem:$0x19880] =	vst v63  }
0x7e: {  	_ =	swait.ge [sflag:s22], $0x100  }
0x7f: {  	[sflag:s22] =	ssyncset.done $0x0  }
0x80: {  	[sflag:s22] =	ssyncadd.s32 $0xFFFFFF00  }
0x81: {  	_ =	swait.ge [sflag:s22], $0x100  }
0x82: {  	[sflag:s22] =	ssyncset.done $0x0  }
0x83: {  	[sflag:s22] =	ssyncadd.s32 $0xFFFFFF00  }
0x84: {  	_ =	swait.ge [sflag:s2], $0x1800  }
0x85: {  	[sflag:s2] =	ssyncset.done $0x0  }
0x86: {  	[sflag:s2] =	ssyncadd.s32 $0xFFFFE800  }
0x87: {  	_ =	swait.ge [sflag:s29], $0x1800  }
0x88: {  	[sflag:s29] =	ssyncset.done $0x0  }
0x89: {  	[sflag:s29] =	ssyncadd.s32 $0xFFFFE800  }
0x8a: {  	[bflag:$0x0] =	sbarrier.arrive $0xFFFF  }
0x8b: {  	s11 =	rddreg [dreg:$0x9]  }
0x8c: {  	[hbm:s11], [sflag:s9] =	dma.local [spmem:s8], $0x2720  }
0x8d: {  	s7 =	sadd.s32 $0x1, s7;
	_ =	swait.ge [sflag:s20], $0x2720  }
0x8e: {  	p0 =	sne.s32 s7, s17;
	[sflag:s20] =	ssyncset.done $0x0  }
.Ltmp2:
0x8f: {  	[sflag:s20] =	ssyncadd.s32 $0xFFFFD8E0;
	(pc) =	sbr.rel @p0 .LBB2_1-.Ltmp2, $4  }
0x90: {  	[hbm4b:s16+s30] =	stream.strided.scatter [tilespmem:s0], [sflag:$0x6], $0x2780, s21, s30, $0x38;
	[tilespmem:$0x19880] =	vst v63  }
0x91: {  	_ =	swait.ge [sflag:s20], $0x2780  }
0x92: {  	[sflag:s20] =	ssyncset.done $0x0  }
0x93: {  	[sflag:s20] =	ssyncadd.s32 $0xFFFFD880  }
0x94: {  	_ =	sfence.sel $0x180000  }
0x95: {  	[bflag:$0x0] =	sbarrier.arrive $0xFFFF  }
0x96: {  	_ =	strace $0x90000047  }
0x97: {  	s0 =	stileid.u32;
	[bflag:$0x2] =	sbarrier.arrive $0xFFFF  }
0x98: {  	p0 =	sne.s32 s0, $0x0;
	s0 =	rddreg [dreg:$0x2]  }
0x99: {  	s0 =	sadd.s32 @!p0 $0x100000, s0  }
0x9a: {  	[sflag:s0] =	ssyncadd.tile.s32 @!p0 $0x1;
	_ =	shalt  }
.Lfunc_end2:
_tile_overlayer_lowered:
.L_overlay_start_2:
0x9b: {  	(tag) =	ssettag $0x2  }
0x9c: {  	s0 =	rddreg [dreg:$0x0];
	s2 =	stileid.u32  }
0x9d: {  	s1 =	rddreg [dreg:$0x1];
	p0 =	sne.s32 s2, $0x0  }
0x9e: {  	s3 =	rddreg [dreg:$0x2];
	[bflag:$0x3] =	sbarrier.arrive $0xFFFF;
	s2 =	simm.s32 @!p0 $0x1C06  }
0x9f: {  	[timem:s3], [sflag:s2] =	dma.local @!p0 [hbm:s0], s1  }
0xa0: {  	s0 =	simm.s32 @!p0 $0x6  }
0xa1: {  	_ =	swait.ge @!p0 [sflag:s0], s1  }
0xa2: {  	s1 =	ssub.s32 @!p0 $0x0, s1;
	[sflag:s0] =	ssyncset.done @!p0 $0x0  }
0xa3: {  	[sflag:s0] =	ssyncadd.s32 @!p0 s1  }
0xa4: {  	[bflag:$0x3] =	sbarrier.arrive $0xFFFF  }
0xa5: {  	_ =	shalt  }

</sc_bundles>
